<compile_context>
chip_gen: v7x
topology: tpu7x:2x2x1
jax: 0.10.2.dev20260603
libtpu: 0.0.44.dev20260713+nightly
codegen_flags: <defaults>
</compile_context>

<pallas_src>
import functools

import jax
import jax.numpy as jnp
from jax import lax
from jax.experimental import pallas as pl
from jax.experimental.pallas import tpu as pltpu
from jax.experimental.pallas import tpu_sc as plsc

B = 4096
K = 64
DIM = 128
N_R_PAD = 128
N_T_PAD = 9472

NC = 2
NS = 16
NW = NC * NS
BPW = B // NW
CHUNK = 2
NCHUNKS = BPW // CHUNK
ROWS = CHUNK * K
NBUF = 2


def _score_matmul(u_emb, r_pad):
    def mm(u_ref, r_ref, o_ref):
        o_ref[...] = lax.dot_general(
            u_ref[...], r_ref[...], (((1,), (1,)), ((), ())),
            preferred_element_type=jnp.float32,
            precision=lax.Precision.HIGHEST)

    return pl.pallas_call(
        mm,
        out_shape=jax.ShapeDtypeStruct((u_emb.shape[0], N_R_PAD), jnp.float32),
    )(u_emb, r_pad)


def _make_sc_kernel():
    mesh = plsc.VectorSubcoreMesh(core_axis_name="c", subcore_axis_name="s")

    @functools.partial(
        pl.kernel, mesh=mesh,
        compiler_params=pltpu.CompilerParams(
            needs_layout_passes=False, use_tc_tiling_on_sc=False),
        out_type=jax.ShapeDtypeStruct((B * DIM,), jnp.float32),
        scratch_types=[
            pltpu.VMEM((BPW,), jnp.int32),
            pltpu.VMEM((BPW * K,), jnp.int32),
            pltpu.VMEM((NCHUNKS, ROWS), jnp.int32),
            pltpu.VMEM((BPW, N_R_PAD), jnp.float32),
            pltpu.VMEM((ROWS, DIM // 2), jnp.int32),
            pltpu.VMEM((ROWS, DIM // 2), jnp.int32),
            pltpu.VMEM((K,), jnp.float32),
            pltpu.VMEM((BPW * DIM,), jnp.float32),
            pltpu.VMEM_SHARED((N_T_PAD, DIM // 2), jnp.int32),
            pltpu.SemaphoreType.DMA,
            pltpu.SemaphoreType.DMA,
        ],
    )
    def sc_kernel(s_hbm, u_hbm, kgr_hbm, kgt_hbm, t_hbm, out_hbm,
                  u_v, kgr_v, kgt_v, s_rows, t_rows0, t_rows1,
                  w_v, out_v, t_spm, sem0, sem1):
        wid = lax.axis_index("s") * NC + lax.axis_index("c")
        sid = lax.axis_index("s")
        bufs = (t_rows0, t_rows1)
        sems = (sem0, sem1)
        tpt = N_T_PAD // NS
        pltpu.sync_copy(t_hbm.at[pl.ds(sid * tpt, tpt)],
                        t_spm.at[pl.ds(sid * tpt, tpt)])
        pltpu.sync_copy(u_hbm.at[pl.ds(wid * BPW, BPW)], u_v)
        pltpu.sync_copy(kgr_hbm.at[pl.ds(wid * BPW * K, BPW * K)], kgr_v)
        pltpu.sync_copy(kgt_hbm.at[pl.ds(wid * NCHUNKS, NCHUNKS)], kgt_v)
        pltpu.async_copy(s_hbm.at[u_v], s_rows, sem0).wait()
        plsc.subcore_barrier()

        def start_gather(c, buf, sem):
            pltpu.make_async_copy(t_spm.at[kgt_v.at[c]], buf, sem).start()

        def wait_gather(c, buf, sem):
            pltpu.make_async_copy(t_spm.at[kgt_v.at[c]], buf, sem).wait()

        for p in range(NBUF - 1):
            start_gather(p, bufs[p], sems[p])

        def chunk_quad_body(c4, carry):
            for b in range(NBUF):
                c = c4 * NBUF + b
                nxt = jnp.minimum(c + NBUF - 1, NCHUNKS - 1)
                pb = (b + NBUF - 1) % NBUF
                start_gather(nxt, bufs[pb], sems[pb])
                wait_gather(c, bufs[b], sems[b])
                _compute_chunk(c, bufs[b])
            return carry

        def _compute_chunk(c, t_rows):
            for ci in range(CHUNK):
                i = c * CHUNK + ci
                svecs = []
                for c16 in range(4):
                    kvec = kgr_v[pl.ds(i * K + c16 * 16, 16)]
                    iv = jnp.full((16,), i, jnp.int32)
                    svecs.append(plsc.load_gather(s_rows, [iv, kvec]))
                m = jnp.maximum(jnp.maximum(svecs[0], svecs[1]),
                                jnp.maximum(svecs[2], svecs[3]))
                mx = jnp.max(m)
                evecs = [jnp.exp(sv - mx) for sv in svecs]
                tot = (jnp.sum(evecs[0]) + jnp.sum(evecs[1])
                       + jnp.sum(evecs[2]) + jnp.sum(evecs[3]))
                inv = jnp.ones((16,), jnp.float32) / jnp.full((16,), tot)
                for c16 in range(4):
                    w_v[pl.ds(c16 * 16, 16)] = evecs[c16] * inv

                def row_body(kk, acc):
                    wkv = plsc.load_gather(
                        w_v, [jnp.full((16,), kk, jnp.int32)])
                    wkb = plsc.pack(wkv, wkv,
                                    format=plsc.PackFormat.INTERLEAVED)
                    r = ci * K + kk
                    new = []
                    for q in range(4):
                        tq = plsc.bitcast(
                            t_rows[r, pl.ds(q * 16, 16)], jnp.bfloat16)
                        ev, od = plsc.unpack(
                            wkb * tq, format=plsc.PackFormat.INTERLEAVED,
                            preferred_element_type=jnp.float32)
                        new.append(acc[2 * q] + ev)
                        new.append(acc[2 * q + 1] + od)
                    return tuple(new)

                zeros8 = tuple(jnp.zeros((16,), jnp.float32) for _ in range(8))
                acc = lax.fori_loop(0, K, row_body, zeros8, unroll=2)
                lanes2 = 2 * lax.iota(jnp.int32, 16)
                for q in range(4):
                    base = i * DIM + q * 32
                    plsc.store_scatter(out_v, [base + lanes2], acc[2 * q])
                    plsc.store_scatter(out_v, [base + 1 + lanes2],
                                       acc[2 * q + 1])

        lax.fori_loop(0, NCHUNKS // NBUF, chunk_quad_body, 0)
        for p in range(NBUF - 1):
            wait_gather(NCHUNKS - 1, bufs[p], sems[p])
        pltpu.sync_copy(out_v, out_hbm.at[pl.ds(wid * BPW * DIM, BPW * DIM)])

    return sc_kernel


_sc_kernel = _make_sc_kernel()


def kernel(u, v, kg_R, kg_T, T_emb, R_emb, U_emb):
    r_pad = jnp.zeros((N_R_PAD, DIM), jnp.float32).at[:R_emb.shape[0]].set(R_emb)
    s_full = _score_matmul(U_emb, r_pad)
    kgr_flat = kg_R.reshape(-1)
    kgt_resh = kg_T.reshape(NW * NCHUNKS, ROWS)
    t_bf = jnp.zeros((N_T_PAD, DIM), jnp.bfloat16).at[:T_emb.shape[0]].set(
        T_emb.astype(jnp.bfloat16))
    t_i32 = lax.bitcast_convert_type(
        t_bf.reshape(N_T_PAD, DIM // 2, 2), jnp.int32)
    out_flat = _sc_kernel(s_full, u, kgr_flat, kgt_resh, t_i32)
    return out_flat.reshape(B, DIM)

# --- scband reference (transcript-rebuilt; emitter-appended) ---
"""Pipeline reference for scband-gcn-58085137711654 (READ-ONLY COPY).

The authoritative reference and input builder live on the scoring server;
editing this copy changes nothing except your own understanding.
"""

import jax, jax.numpy as jnp
import numpy as np

B = 4096
K = 64
DIM = 128
N_T = 9366
N_R = 60
N_U = 1872


def setup_inputs(seed: int = 0) -> dict:
    key = jax.random.key(seed)
    ks = jax.random.split(key, 7)
    u = jax.random.randint(ks[0], (B,), 0, N_U, dtype=jnp.int32)
    v = jax.random.randint(ks[1], (B,), 0, N_T, dtype=jnp.int32)
    kg_R = jax.random.randint(ks[2], (B, K), 0, N_R, dtype=jnp.int32)
    kg_T = jax.random.randint(ks[3], (B, K), 0, N_T, dtype=jnp.int32)
    T_emb = jax.random.normal(ks[4], (N_T, DIM), dtype=jnp.float32)
    R_emb = jax.random.normal(ks[5], (N_R, DIM), dtype=jnp.float32)
    U_emb = jax.random.normal(ks[6], (N_U, DIM), dtype=jnp.float32)
    return {"u": u, "v": v, "kg_R": kg_R, "kg_T": kg_T,
            "T_emb": T_emb, "R_emb": R_emb, "U_emb": U_emb}


def reference(u, v, kg_R, kg_T, T_emb, R_emb, U_emb):
    # U_v = self.U_Embedding(u)
    U_v = jnp.take(U_emb, u, axis=0)                      # [B, d]
    # per item v_i: gather its KG neighbor relations/tails
    # (pandas kg_data.loc[vi] lookup replaced by precomputed kg_R/kg_T)
    R_v = jnp.take(R_emb, kg_R, axis=0)                   # [B, K, d]
    T_v = jnp.take(T_emb, kg_T, axis=0)                   # [B, K, d]
    # score_k = sum(U_v[j] * R_v_k); softmax over neighbors
    score = jnp.sum(U_v[:, None, :] * R_v, axis=-1)       # [B, K]
    score = jax.nn.softmax(score, axis=-1)                # [B, K]
    # V_New = sum_k score_k * T_v_k
    v_c = jnp.sum(score[:, :, None] * T_v, axis=1)        # [B, d]
    return v_c

if __name__ == "__main__":
    import jax
    _d = setup_inputs()
    print(jax.jit(kernel)(*tuple(_d.values())))

</pallas_src>

<mosaic_0001>
#map = affine_map<(d0, d1) -> (0, 0)>
#map1 = affine_map<(d0, d1) -> (0)>
module attributes {stable_mosaic.version = 14 : i64} {
  func.func @sc_kernel(%arg0: i32, %arg1: i32, %arg2: memref<1872x128xf32, #tpu.memory_space<hbm>>, %arg3: memref<4096xi32, #tpu.memory_space<hbm>>, %arg4: memref<262144xi32, #tpu.memory_space<hbm>>, %arg5: memref<2048x128xi32, #tpu.memory_space<hbm>>, %arg6: memref<9472x64xi32, #tpu.memory_space<hbm>>, %arg7: memref<524288xf32, #tpu.memory_space<hbm>>, %arg8: memref<128xi32, #tpu.memory_space<vmem>>, %arg9: memref<8192xi32, #tpu.memory_space<vmem>>, %arg10: memref<64x128xi32, #tpu.memory_space<vmem>>, %arg11: memref<128x128xf32, #tpu.memory_space<vmem>>, %arg12: memref<128x64xi32, #tpu.memory_space<vmem>>, %arg13: memref<128x64xi32, #tpu.memory_space<vmem>>, %arg14: memref<64xf32, #tpu.memory_space<vmem>>, %arg15: memref<16384xf32, #tpu.memory_space<vmem>>, %arg16: memref<9472x64xi32, #tpu.memory_space<vmem_shared>>, %arg17: memref<!tpu.dma_semaphore, #tpu.memory_space<semaphore_mem>>, %arg18: memref<!tpu.dma_semaphore, #tpu.memory_space<semaphore_mem>>) attributes {dimension_semantics = [#tpu.dimension_semantics<core_parallel>, #tpu.dimension_semantics<subcore_parallel>], iteration_bounds = array<i64: 2, 16>, scalar_prefetch = 0 : i64, scratch_operands = 11 : i64, tpu.core_type = #tpu.core_type<sc_vector_subcore>, window_params = [{transform_indices = #map}, {transform_indices = #map1}, {transform_indices = #map1}, {transform_indices = #map}, {transform_indices = #map}, {transform_indices = #map1}]} {
    %mul3A = arith.constant 2 : i32
    %mul3A_0 = arith.muli %arg1, %mul3A : i32
    %add3A = arith.addi %mul3A_0, %arg0 : i32
    %mul3A_1 = arith.constant 592 : i32
    %mul3A_2 = arith.muli %arg1, %mul3A_1 : i32
    %mul3A_3 = arith.constant 592 : i32
    %mul3A_4 = arith.muli %arg1, %mul3A_3 : i32
    "tpu.region"() ({
      %run_scoped3A = tpu.sem_alloc : memref<!tpu.dma_semaphore, #tpu.memory_space<semaphore_mem>>
      %dma_start3A_40 = arith.constant 0 : i32
      %dma_start3A_41 = tpu.memref_slice %arg16[%mul3A_4, %dma_start3A_40] : memref<9472x64xi32, #tpu.memory_space<vmem_shared>> -> memref<592x64xi32, #tpu.memory_space<vmem_shared>>
      %dma_start3A_42 = arith.constant 0 : i32
      %dma_start3A_43 = tpu.memref_slice %arg6[%mul3A_2, %dma_start3A_42] : memref<9472x64xi32, #tpu.memory_space<hbm>> -> memref<592x64xi32, #tpu.memory_space<hbm>>
      tpu.enqueue_dma source(%dma_start3A_43 : memref<592x64xi32, #tpu.memory_space<hbm>>) target(%dma_start3A_41 : memref<592x64xi32, #tpu.memory_space<vmem_shared>>) target_semaphore(%run_scoped3A : memref<!tpu.dma_semaphore, #tpu.memory_space<semaphore_mem>>)
      %dma_wait3A_44 = arith.constant 0 : i32
      %dma_wait3A_45 = tpu.memref_slice %arg16[%mul3A_4, %dma_wait3A_44] : memref<9472x64xi32, #tpu.memory_space<vmem_shared>> -> memref<592x64xi32, #tpu.memory_space<vmem_shared>>
      %dma_wait3A_46 = arith.constant 0 : i32
      %dma_wait3A_47 = tpu.memref_slice %arg6[%mul3A_2, %dma_wait3A_46] : memref<9472x64xi32, #tpu.memory_space<hbm>> -> memref<592x64xi32, #tpu.memory_space<hbm>>
      tpu.wait_dma2 semaphore(%run_scoped3A : memref<!tpu.dma_semaphore, #tpu.memory_space<semaphore_mem>>) src(%dma_wait3A_47 : memref<592x64xi32, #tpu.memory_space<hbm>>) dst(%dma_wait3A_45 : memref<592x64xi32, #tpu.memory_space<vmem_shared>>)
      tpu.yield
    }) : () -> ()
    %mul3A_5 = arith.constant 128 : i32
    %mul3A_6 = arith.muli %add3A, %mul3A_5 : i32
    "tpu.region"() ({
      %run_scoped3A = tpu.sem_alloc : memref<!tpu.dma_semaphore, #tpu.memory_space<semaphore_mem>>
      %dma_start3A_40 = tpu.memref_slice %arg3[%mul3A_6] : memref<4096xi32, #tpu.memory_space<hbm>> -> memref<128xi32, #tpu.memory_space<hbm>>
      %dma_start3A_41 = tpu.memref_slice %arg3[%mul3A_6] : memref<4096xi32, #tpu.memory_space<hbm>> -> memref<128xi32, #tpu.memory_space<hbm>>
      tpu.enqueue_dma source(%dma_start3A_41 : memref<128xi32, #tpu.memory_space<hbm>>) target(%arg8 : memref<128xi32, #tpu.memory_space<vmem>>) target_semaphore(%run_scoped3A : memref<!tpu.dma_semaphore, #tpu.memory_space<semaphore_mem>>)
      %dma_wait3A_42 = tpu.memref_slice %arg3[%mul3A_6] : memref<4096xi32, #tpu.memory_space<hbm>> -> memref<128xi32, #tpu.memory_space<hbm>>
      %dma_wait3A_43 = tpu.memref_slice %arg3[%mul3A_6] : memref<4096xi32, #tpu.memory_space<hbm>> -> memref<128xi32, #tpu.memory_space<hbm>>
      tpu.wait_dma2 semaphore(%run_scoped3A : memref<!tpu.dma_semaphore, #tpu.memory_space<semaphore_mem>>) src(%dma_wait3A_43 : memref<128xi32, #tpu.memory_space<hbm>>) dst(%arg8 : memref<128xi32, #tpu.memory_space<vmem>>)
      tpu.yield
    }) : () -> ()
    %mul3A_7 = arith.constant 128 : i32
    %mul3A_8 = arith.muli %add3A, %mul3A_7 : i32
    %mul3A_9 = arith.constant 64 : i32
    %mul3A_10 = arith.muli %mul3A_8, %mul3A_9 : i32
    "tpu.region"() ({
      %run_scoped3A = tpu.sem_alloc : memref<!tpu.dma_semaphore, #tpu.memory_space<semaphore_mem>>
      %dma_start3A_40 = tpu.memref_slice %arg4[%mul3A_10] : memref<262144xi32, #tpu.memory_space<hbm>> -> memref<8192xi32, #tpu.memory_space<hbm>>
      %dma_start3A_41 = tpu.memref_slice %arg4[%mul3A_10] : memref<262144xi32, #tpu.memory_space<hbm>> -> memref<8192xi32, #tpu.memory_space<hbm>>
      tpu.enqueue_dma source(%dma_start3A_41 : memref<8192xi32, #tpu.memory_space<hbm>>) target(%arg9 : memref<8192xi32, #tpu.memory_space<vmem>>) target_semaphore(%run_scoped3A : memref<!tpu.dma_semaphore, #tpu.memory_space<semaphore_mem>>)
      %dma_wait3A_42 = tpu.memref_slice %arg4[%mul3A_10] : memref<262144xi32, #tpu.memory_space<hbm>> -> memref<8192xi32, #tpu.memory_space<hbm>>
      %dma_wait3A_43 = tpu.memref_slice %arg4[%mul3A_10] : memref<262144xi32, #tpu.memory_space<hbm>> -> memref<8192xi32, #tpu.memory_space<hbm>>
      tpu.wait_dma2 semaphore(%run_scoped3A : memref<!tpu.dma_semaphore, #tpu.memory_space<semaphore_mem>>) src(%dma_wait3A_43 : memref<8192xi32, #tpu.memory_space<hbm>>) dst(%arg9 : memref<8192xi32, #tpu.memory_space<vmem>>)
      tpu.yield
    }) : () -> ()
    %mul3A_11 = arith.constant 64 : i32
    %mul3A_12 = arith.muli %add3A, %mul3A_11 : i32
    "tpu.region"() ({
      %run_scoped3A = tpu.sem_alloc : memref<!tpu.dma_semaphore, #tpu.memory_space<semaphore_mem>>
      %dma_start3A_40 = arith.constant 0 : i32
      %dma_start3A_41 = tpu.memref_slice %arg5[%mul3A_12, %dma_start3A_40] : memref<2048x128xi32, #tpu.memory_space<hbm>> -> memref<64x128xi32, #tpu.memory_space<hbm>>
      %dma_start3A_42 = arith.constant 0 : i32
      %dma_start3A_43 = tpu.memref_slice %arg5[%mul3A_12, %dma_start3A_42] : memref<2048x128xi32, #tpu.memory_space<hbm>> -> memref<64x128xi32, #tpu.memory_space<hbm>>
      tpu.enqueue_dma source(%dma_start3A_43 : memref<64x128xi32, #tpu.memory_space<hbm>>) target(%arg10 : memref<64x128xi32, #tpu.memory_space<vmem>>) target_semaphore(%run_scoped3A : memref<!tpu.dma_semaphore, #tpu.memory_space<semaphore_mem>>)
      %dma_wait3A_44 = arith.constant 0 : i32
      %dma_wait3A_45 = tpu.memref_slice %arg5[%mul3A_12, %dma_wait3A_44] : memref<2048x128xi32, #tpu.memory_space<hbm>> -> memref<64x128xi32, #tpu.memory_space<hbm>>
      %dma_wait3A_46 = arith.constant 0 : i32
      %dma_wait3A_47 = tpu.memref_slice %arg5[%mul3A_12, %dma_wait3A_46] : memref<2048x128xi32, #tpu.memory_space<hbm>> -> memref<64x128xi32, #tpu.memory_space<hbm>>
      tpu.wait_dma2 semaphore(%run_scoped3A : memref<!tpu.dma_semaphore, #tpu.memory_space<semaphore_mem>>) src(%dma_wait3A_47 : memref<64x128xi32, #tpu.memory_space<hbm>>) dst(%arg10 : memref<64x128xi32, #tpu.memory_space<vmem>>)
      tpu.yield
    }) : () -> ()
    %dma_start3A = arith.constant 0 : i32
    %dma_start3A_13 = arith.constant 0 : i32
    %dma_start3A_14 = tpu.memref_slice %arg2[%dma_start3A, %dma_start3A_13] : memref<1872x128xf32, #tpu.memory_space<hbm>> -> memref<1872x128xf32, #tpu.memory_space<hbm>>
    tpu.enqueue_indirect_dma source(%dma_start3A_14 : memref<1872x128xf32, #tpu.memory_space<hbm>>) target(%arg11 : memref<128x128xf32, #tpu.memory_space<vmem>>) offsets(%arg8 : memref<128xi32, #tpu.memory_space<vmem>>) semaphore(%arg17 : memref<!tpu.dma_semaphore, #tpu.memory_space<semaphore_mem>>)
    %dma_wait3A = arith.constant 0 : i32
    %dma_wait3A_15 = arith.constant 0 : i32
    %dma_wait3A_16 = tpu.memref_slice %arg2[%dma_wait3A, %dma_wait3A_15] : memref<1872x128xf32, #tpu.memory_space<hbm>> -> memref<1872x128xf32, #tpu.memory_space<hbm>>
    tpu.wait_indirect_dma semaphore(%arg17 : memref<!tpu.dma_semaphore, #tpu.memory_space<semaphore_mem>>) src(%dma_wait3A_16 : memref<1872x128xf32, #tpu.memory_space<hbm>>) dst(%arg11 : memref<128x128xf32, #tpu.memory_space<vmem>>)
    %barrier3A = arith.constant 0 : index
    tpu.barrier barrier_id(%barrier3A)
    %dma_start3A_17 = arith.constant 0 : i32
    %dma_start3A_18 = arith.constant 0 : i32
    %dma_start3A_19 = tpu.memref_slice %arg10[%dma_start3A_17, %dma_start3A_18] : memref<64x128xi32, #tpu.memory_space<vmem>> -> memref<1x128xi32, #tpu.memory_space<vmem>>
    %dma_start3A_20 = tpu.memref_squeeze %dma_start3A_19 : memref<1x128xi32, #tpu.memory_space<vmem>> -> memref<128xi32, #tpu.memory_space<vmem>>
    %dma_start3A_21 = arith.constant 0 : i32
    %dma_start3A_22 = arith.constant 0 : i32
    %dma_start3A_23 = tpu.memref_slice %arg16[%dma_start3A_21, %dma_start3A_22] : memref<9472x64xi32, #tpu.memory_space<vmem_shared>> -> memref<9472x64xi32, #tpu.memory_space<vmem_shared>>
    tpu.enqueue_indirect_dma source(%dma_start3A_23 : memref<9472x64xi32, #tpu.memory_space<vmem_shared>>) target(%arg12 : memref<128x64xi32, #tpu.memory_space<vmem>>) offsets(%dma_start3A_20 : memref<128xi32, #tpu.memory_space<vmem>>) semaphore(%arg17 : memref<!tpu.dma_semaphore, #tpu.memory_space<semaphore_mem>>)
    %scan3A = arith.constant 0 : i32
    %scan3A_24 = arith.constant 0 : i32
    %scan3A_25 = arith.constant 32 : i32
    %scan3A_26 = arith.addi %scan3A_24, %scan3A_25 : i32
    %scan3A_27 = arith.constant 1 : i32
    scf.for %scan3A_40 = %scan3A_24 to %scan3A_26 step %scan3A_27  : i32 {
      %mul3A_41 = arith.constant 2 : i32
      %mul3A_42 = arith.muli %scan3A_40, %mul3A_41 : i32
      %add3A_43 = arith.constant 0 : i32
      %add3A_44 = arith.addi %mul3A_42, %add3A_43 : i32
      %add3A_45 = arith.constant 2 : i32
      %add3A_46 = arith.addi %add3A_44, %add3A_45 : i32
      %sub3A = arith.constant 1 : i32
      %sub3A_47 = arith.subi %add3A_46, %sub3A : i32
      %min3A = arith.constant 63 : i32
      %min3A_48 = arith.minsi %sub3A_47, %min3A : i32
      %dma_start3A_49 = arith.constant 0 : i32
      %dma_start3A_50 = tpu.memref_slice %arg10[%min3A_48, %dma_start3A_49] : memref<64x128xi32, #tpu.memory_space<vmem>> -> memref<1x128xi32, #tpu.memory_space<vmem>>
      %dma_start3A_51 = tpu.memref_squeeze %dma_start3A_50 : memref<1x128xi32, #tpu.memory_space<vmem>> -> memref<128xi32, #tpu.memory_space<vmem>>
      %dma_start3A_52 = arith.constant 0 : i32
      %dma_start3A_53 = arith.constant 0 : i32
      %dma_start3A_54 = tpu.memref_slice %arg16[%dma_start3A_52, %dma_start3A_53] : memref<9472x64xi32, #tpu.memory_space<vmem_shared>> -> memref<9472x64xi32, #tpu.memory_space<vmem_shared>>
      tpu.enqueue_indirect_dma source(%dma_start3A_54 : memref<9472x64xi32, #tpu.memory_space<vmem_shared>>) target(%arg13 : memref<128x64xi32, #tpu.memory_space<vmem>>) offsets(%dma_start3A_51 : memref<128xi32, #tpu.memory_space<vmem>>) semaphore(%arg18 : memref<!tpu.dma_semaphore, #tpu.memory_space<semaphore_mem>>)
      %dma_wait3A_55 = arith.constant 0 : i32
      %dma_wait3A_56 = tpu.memref_slice %arg10[%add3A_44, %dma_wait3A_55] : memref<64x128xi32, #tpu.memory_space<vmem>> -> memref<1x128xi32, #tpu.memory_space<vmem>>
      %dma_wait3A_57 = tpu.memref_squeeze %dma_wait3A_56 : memref<1x128xi32, #tpu.memory_space<vmem>> -> memref<128xi32, #tpu.memory_space<vmem>>
      %dma_wait3A_58 = arith.constant 0 : i32
      %dma_wait3A_59 = arith.constant 0 : i32
      %dma_wait3A_60 = tpu.memref_slice %arg16[%dma_wait3A_58, %dma_wait3A_59] : memref<9472x64xi32, #tpu.memory_space<vmem_shared>> -> memref<9472x64xi32, #tpu.memory_space<vmem_shared>>
      tpu.wait_indirect_dma semaphore(%arg17 : memref<!tpu.dma_semaphore, #tpu.memory_space<semaphore_mem>>) src(%dma_wait3A_60 : memref<9472x64xi32, #tpu.memory_space<vmem_shared>>) dst(%arg12 : memref<128x64xi32, #tpu.memory_space<vmem>>)
      %mul3A_61 = arith.constant 2 : i32
      %mul3A_62 = arith.muli %add3A_44, %mul3A_61 : i32
      %add3A_63 = arith.constant 0 : i32
      %add3A_64 = arith.addi %mul3A_62, %add3A_63 : i32
      %mul3A_65 = arith.constant 64 : i32
      %mul3A_66 = arith.muli %add3A_64, %mul3A_65 : i32
      %add3A_67 = arith.constant 0 : i32
      %add3A_68 = arith.addi %mul3A_66, %add3A_67 : i32
      %get3A = arith.index_cast %add3A_68 : i32 to index
      %get3A_69 = tpu.vector_load %arg9[%get3A] {strides = array<i32>} : memref<8192xi32, #tpu.memory_space<vmem>>, vector<16xi32>,
      %broadcast_in_dim3A = vector.broadcast %add3A_64 : i32 to vector<16xi32>
      %gather3A = tpu.vector_load_idx %arg11[%broadcast_in_dim3A, %get3A_69] : memref<128x128xf32, #tpu.memory_space<vmem>>[vector<16xi32>, vector<16xi32>], vector<16xf32>,
      %mul3A_70 = arith.constant 64 : i32
      %mul3A_71 = arith.muli %add3A_64, %mul3A_70 : i32
      %add3A_72 = arith.constant 16 : i32
      %add3A_73 = arith.addi %mul3A_71, %add3A_72 : i32
      %get3A_74 = arith.index_cast %add3A_73 : i32 to index
      %get3A_75 = tpu.vector_load %arg9[%get3A_74] {strides = array<i32>} : memref<8192xi32, #tpu.memory_space<vmem>>, vector<16xi32>,
      %broadcast_in_dim3A_76 = vector.broadcast %add3A_64 : i32 to vector<16xi32>
      %gather3A_77 = tpu.vector_load_idx %arg11[%broadcast_in_dim3A_76, %get3A_75] : memref<128x128xf32, #tpu.memory_space<vmem>>[vector<16xi32>, vector<16xi32>], vector<16xf32>,
      %mul3A_78 = arith.constant 64 : i32
      %mul3A_79 = arith.muli %add3A_64, %mul3A_78 : i32
      %add3A_80 = arith.constant 32 : i32
      %add3A_81 = arith.addi %mul3A_79, %add3A_80 : i32
      %get3A_82 = arith.index_cast %add3A_81 : i32 to index
      %get3A_83 = tpu.vector_load %arg9[%get3A_82] {strides = array<i32>} : memref<8192xi32, #tpu.memory_space<vmem>>, vector<16xi32>,
      %broadcast_in_dim3A_84 = vector.broadcast %add3A_64 : i32 to vector<16xi32>
      %gather3A_85 = tpu.vector_load_idx %arg11[%broadcast_in_dim3A_84, %get3A_83] : memref<128x128xf32, #tpu.memory_space<vmem>>[vector<16xi32>, vector<16xi32>], vector<16xf32>,
      %mul3A_86 = arith.constant 64 : i32
      %mul3A_87 = arith.muli %add3A_64, %mul3A_86 : i32
      %add3A_88 = arith.constant 48 : i32
      %add3A_89 = arith.addi %mul3A_87, %add3A_88 : i32
      %get3A_90 = arith.index_cast %add3A_89 : i32 to index
      %get3A_91 = tpu.vector_load %arg9[%get3A_90] {strides = array<i32>} : memref<8192xi32, #tpu.memory_space<vmem>>, vector<16xi32>,
      %broadcast_in_dim3A_92 = vector.broadcast %add3A_64 : i32 to vector<16xi32>
      %gather3A_93 = tpu.vector_load_idx %arg11[%broadcast_in_dim3A_92, %get3A_91] : memref<128x128xf32, #tpu.memory_space<vmem>>[vector<16xi32>, vector<16xi32>], vector<16xf32>,
      %max3A = arith.maximumf %gather3A, %gather3A_77 : vector<16xf32>
      %max3A_94 = arith.maximumf %gather3A_85, %gather3A_93 : vector<16xf32>
      %max3A_95 = arith.maximumf %max3A, %max3A_94 : vector<16xf32>
      %reduce_max3A = arith.constant true
      %reduce_max3A_96 = vector.broadcast %reduce_max3A : i1 to vector<16xi1>
      %reduce_max3A_97 = tpu.scan <max>, %max3A_95 masked %reduce_max3A_96 : vector<16xf32>, vector<16xi1> -> vector<16xf32>
      %reduce_max3A_98 = vector.extract %reduce_max3A_97[15] : f32 from vector<16xf32>
      %sub3A_99 = vector.broadcast %reduce_max3A_98 : f32 to vector<16xf32>
      %sub3A_100 = arith.subf %gather3A, %sub3A_99 : vector<16xf32>
      %exp3A = math.exp %sub3A_100 : vector<16xf32>
      %sub3A_101 = vector.broadcast %reduce_max3A_98 : f32 to vector<16xf32>
      %sub3A_102 = arith.subf %gather3A_77, %sub3A_101 : vector<16xf32>
      %exp3A_103 = math.exp %sub3A_102 : vector<16xf32>
      %sub3A_104 = vector.broadcast %reduce_max3A_98 : f32 to vector<16xf32>
      %sub3A_105 = arith.subf %gather3A_85, %sub3A_104 : vector<16xf32>
      %exp3A_106 = math.exp %sub3A_105 : vector<16xf32>
      %sub3A_107 = vector.broadcast %reduce_max3A_98 : f32 to vector<16xf32>
      %sub3A_108 = arith.subf %gather3A_93, %sub3A_107 : vector<16xf32>
      %exp3A_109 = math.exp %sub3A_108 : vector<16xf32>
      %reduce_sum3A = arith.constant true
      %reduce_sum3A_110 = vector.broadcast %reduce_sum3A : i1 to vector<16xi1>
      %reduce_sum3A_111 = tpu.scan <sum>, %exp3A masked %reduce_sum3A_110 : vector<16xf32>, vector<16xi1> -> vector<16xf32>
      %reduce_sum3A_112 = vector.extract %reduce_sum3A_111[15] : f32 from vector<16xf32>
      %reduce_sum3A_113 = arith.constant true
      %reduce_sum3A_114 = vector.broadcast %reduce_sum3A_113 : i1 to vector<16xi1>
      %reduce_sum3A_115 = tpu.scan <sum>, %exp3A_103 masked %reduce_sum3A_114 : vector<16xf32>, vector<16xi1> -> vector<16xf32>
      %reduce_sum3A_116 = vector.extract %reduce_sum3A_115[15] : f32 from vector<16xf32>
      %add3A_117 = arith.addf %reduce_sum3A_112, %reduce_sum3A_116 : f32
      %reduce_sum3A_118 = arith.constant true
      %reduce_sum3A_119 = vector.broadcast %reduce_sum3A_118 : i1 to vector<16xi1>
      %reduce_sum3A_120 = tpu.scan <sum>, %exp3A_106 masked %reduce_sum3A_119 : vector<16xf32>, vector<16xi1> -> vector<16xf32>
      %reduce_sum3A_121 = vector.extract %reduce_sum3A_120[15] : f32 from vector<16xf32>
      %add3A_122 = arith.addf %add3A_117, %reduce_sum3A_121 : f32
      %reduce_sum3A_123 = arith.constant true
      %reduce_sum3A_124 = vector.broadcast %reduce_sum3A_123 : i1 to vector<16xi1>
      %reduce_sum3A_125 = tpu.scan <sum>, %exp3A_109 masked %reduce_sum3A_124 : vector<16xf32>, vector<16xi1> -> vector<16xf32>
      %reduce_sum3A_126 = vector.extract %reduce_sum3A_125[15] : f32 from vector<16xf32>
      %add3A_127 = arith.addf %add3A_122, %reduce_sum3A_126 : f32
      %broadcast_in_dim3A_128 = arith.constant 1.000000e+00 : f32
      %broadcast_in_dim3A_129 = vector.broadcast %broadcast_in_dim3A_128 : f32 to vector<16xf32>
      %broadcast_in_dim3A_130 = vector.broadcast %add3A_127 : f32 to vector<16xf32>
      %div3A = arith.divf %broadcast_in_dim3A_129, %broadcast_in_dim3A_130 : vector<16xf32>
      %mul3A_131 = arith.mulf %exp3A, %div3A : vector<16xf32>
      %swap3A = arith.constant 0 : index
      %swap3A_132 = tpu.vector_load %arg14[%swap3A] {strides = array<i32>} : memref<64xf32, #tpu.memory_space<vmem>>, vector<16xf32>,
      tpu.vector_store %arg14[%swap3A], %mul3A_131 {strides = array<i32>} : memref<64xf32, #tpu.memory_space<vmem>>, vector<16xf32>,
      %mul3A_133 = arith.mulf %exp3A_103, %div3A : vector<16xf32>
      %swap3A_134 = arith.constant 16 : index
      %swap3A_135 = tpu.vector_load %arg14[%swap3A_134] {strides = array<i32>} : memref<64xf32, #tpu.memory_space<vmem>>, vector<16xf32>,
      tpu.vector_store %arg14[%swap3A_134], %mul3A_133 {strides = array<i32>} : memref<64xf32, #tpu.memory_space<vmem>>, vector<16xf32>,
      %mul3A_136 = arith.mulf %exp3A_106, %div3A : vector<16xf32>
      %swap3A_137 = arith.constant 32 : index
      %swap3A_138 = tpu.vector_load %arg14[%swap3A_137] {strides = array<i32>} : memref<64xf32, #tpu.memory_space<vmem>>, vector<16xf32>,
      tpu.vector_store %arg14[%swap3A_137], %mul3A_136 {strides = array<i32>} : memref<64xf32, #tpu.memory_space<vmem>>, vector<16xf32>,
      %mul3A_139 = arith.mulf %exp3A_109, %div3A : vector<16xf32>
      %swap3A_140 = arith.constant 48 : index
      %swap3A_141 = tpu.vector_load %arg14[%swap3A_140] {strides = array<i32>} : memref<64xf32, #tpu.memory_space<vmem>>, vector<16xf32>,
      tpu.vector_store %arg14[%swap3A_140], %mul3A_139 {strides = array<i32>} : memref<64xf32, #tpu.memory_space<vmem>>, vector<16xf32>,
      %broadcast_in_dim3A_142 = arith.constant 0.000000e+00 : f32
      %broadcast_in_dim3A_143 = vector.broadcast %broadcast_in_dim3A_142 : f32 to vector<16xf32>
      %broadcast_in_dim3A_144 = arith.constant 0.000000e+00 : f32
      %broadcast_in_dim3A_145 = vector.broadcast %broadcast_in_dim3A_144 : f32 to vector<16xf32>
      %broadcast_in_dim3A_146 = arith.constant 0.000000e+00 : f32
      %broadcast_in_dim3A_147 = vector.broadcast %broadcast_in_dim3A_146 : f32 to vector<16xf32>
      %broadcast_in_dim3A_148 = arith.constant 0.000000e+00 : f32
      %broadcast_in_dim3A_149 = vector.broadcast %broadcast_in_dim3A_148 : f32 to vector<16xf32>
      %broadcast_in_dim3A_150 = arith.constant 0.000000e+00 : f32
      %broadcast_in_dim3A_151 = vector.broadcast %broadcast_in_dim3A_150 : f32 to vector<16xf32>
      %broadcast_in_dim3A_152 = arith.constant 0.000000e+00 : f32
      %broadcast_in_dim3A_153 = vector.broadcast %broadcast_in_dim3A_152 : f32 to vector<16xf32>
      %broadcast_in_dim3A_154 = arith.constant 0.000000e+00 : f32
      %broadcast_in_dim3A_155 = vector.broadcast %broadcast_in_dim3A_154 : f32 to vector<16xf32>
      %broadcast_in_dim3A_156 = arith.constant 0.000000e+00 : f32
      %broadcast_in_dim3A_157 = vector.broadcast %broadcast_in_dim3A_156 : f32 to vector<16xf32>
      %scan3A_158 = arith.constant 0 : i32
      %scan3A_159 = arith.constant 64 : i32
      %scan3A_160 = arith.addi %scan3A_158, %scan3A_159 : i32
      %scan3A_161 = arith.constant 2 : i32
      %scan3A_162:8 = scf.for %scan3A_697 = %scan3A_158 to %scan3A_160 step %scan3A_161 iter_args(%scan3A_698 = %broadcast_in_dim3A_143, %scan3A_699 = %broadcast_in_dim3A_145, %scan3A_700 = %broadcast_in_dim3A_147, %scan3A_701 = %broadcast_in_dim3A_149, %scan3A_702 = %broadcast_in_dim3A_151, %scan3A_703 = %broadcast_in_dim3A_153, %scan3A_704 = %broadcast_in_dim3A_155, %scan3A_705 = %broadcast_in_dim3A_157) -> (vector<16xf32>, vector<16xf32>, vector<16xf32>, vector<16xf32>, vector<16xf32>, vector<16xf32>, vector<16xf32>, vector<16xf32>)  : i32 {
        %broadcast_in_dim3A_706 = vector.broadcast %scan3A_697 : i32 to vector<16xi32>
        %gather3A_707 = tpu.vector_load_idx %arg14[%broadcast_in_dim3A_706] : memref<64xf32, #tpu.memory_space<vmem>>[vector<16xi32>], vector<16xf32>,
        %pack3A = tpu.pack_subelements %gather3A_707, %gather3A_707 {pack_format = #tpu.pack_format<interleaved>, positions = array<i32: 0, 1>} : vector<16xf32>, vector<16xf32> -> vector<32xbf16>
        %add3A_708 = arith.constant 0 : i32
        %add3A_709 = arith.addi %add3A_708, %scan3A_697 : i32
        %get3A_710 = arith.index_cast %add3A_709 : i32 to index
        %get3A_711 = arith.constant 0 : index
        %get3A_712 = tpu.vector_load %arg12[%get3A_710, %get3A_711] {strides = array<i32>} : memref<128x64xi32, #tpu.memory_space<vmem>>, vector<16xi32>,
        %bitcast3A = vector.bitcast %get3A_712 : vector<16xi32> to vector<32xbf16>
        %mul3A_713 = arith.mulf %pack3A, %bitcast3A : vector<32xbf16>
        %unpack3A = tpu.unpack_subelements %mul3A_713, 0 {pack_format = #tpu.pack_format<interleaved>} : vector<32xbf16> -> vector<16xf32>
        %unpack3A_714 = tpu.unpack_subelements %mul3A_713, 1 {pack_format = #tpu.pack_format<interleaved>} : vector<32xbf16> -> vector<16xf32>
        %add3A_715 = arith.addf %scan3A_698, %unpack3A : vector<16xf32>
        %add3A_716 = arith.addf %scan3A_699, %unpack3A_714 : vector<16xf32>
        %get3A_717 = arith.index_cast %add3A_709 : i32 to index
        %get3A_718 = arith.constant 16 : index
        %get3A_719 = tpu.vector_load %arg12[%get3A_717, %get3A_718] {strides = array<i32>} : memref<128x64xi32, #tpu.memory_space<vmem>>, vector<16xi32>,
        %bitcast3A_720 = vector.bitcast %get3A_719 : vector<16xi32> to vector<32xbf16>
        %mul3A_721 = arith.mulf %pack3A, %bitcast3A_720 : vector<32xbf16>
        %unpack3A_722 = tpu.unpack_subelements %mul3A_721, 0 {pack_format = #tpu.pack_format<interleaved>} : vector<32xbf16> -> vector<16xf32>
        %unpack3A_723 = tpu.unpack_subelements %mul3A_721, 1 {pack_format = #tpu.pack_format<interleaved>} : vector<32xbf16> -> vector<16xf32>
        %add3A_724 = arith.addf %scan3A_700, %unpack3A_722 : vector<16xf32>
        %add3A_725 = arith.addf %scan3A_701, %unpack3A_723 : vector<16xf32>
        %get3A_726 = arith.index_cast %add3A_709 : i32 to index
        %get3A_727 = arith.constant 32 : index
        %get3A_728 = tpu.vector_load %arg12[%get3A_726, %get3A_727] {strides = array<i32>} : memref<128x64xi32, #tpu.memory_space<vmem>>, vector<16xi32>,
        %bitcast3A_729 = vector.bitcast %get3A_728 : vector<16xi32> to vector<32xbf16>
        %mul3A_730 = arith.mulf %pack3A, %bitcast3A_729 : vector<32xbf16>
        %unpack3A_731 = tpu.unpack_subelements %mul3A_730, 0 {pack_format = #tpu.pack_format<interleaved>} : vector<32xbf16> -> vector<16xf32>
        %unpack3A_732 = tpu.unpack_subelements %mul3A_730, 1 {pack_format = #tpu.pack_format<interleaved>} : vector<32xbf16> -> vector<16xf32>
        %add3A_733 = arith.addf %scan3A_702, %unpack3A_731 : vector<16xf32>
        %add3A_734 = arith.addf %scan3A_703, %unpack3A_732 : vector<16xf32>
        %get3A_735 = arith.index_cast %add3A_709 : i32 to index
        %get3A_736 = arith.constant 48 : index
        %get3A_737 = tpu.vector_load %arg12[%get3A_735, %get3A_736] {strides = array<i32>} : memref<128x64xi32, #tpu.memory_space<vmem>>, vector<16xi32>,
        %bitcast3A_738 = vector.bitcast %get3A_737 : vector<16xi32> to vector<32xbf16>
        %mul3A_739 = arith.mulf %pack3A, %bitcast3A_738 : vector<32xbf16>
        %unpack3A_740 = tpu.unpack_subelements %mul3A_739, 0 {pack_format = #tpu.pack_format<interleaved>} : vector<32xbf16> -> vector<16xf32>
        %unpack3A_741 = tpu.unpack_subelements %mul3A_739, 1 {pack_format = #tpu.pack_format<interleaved>} : vector<32xbf16> -> vector<16xf32>
        %add3A_742 = arith.addf %scan3A_704, %unpack3A_740 : vector<16xf32>
        %add3A_743 = arith.addf %scan3A_705, %unpack3A_741 : vector<16xf32>
        %scan3A_744 = arith.constant 1 : i32
        %scan3A_745 = arith.addi %scan3A_697, %scan3A_744 : i32
        %broadcast_in_dim3A_746 = vector.broadcast %scan3A_745 : i32 to vector<16xi32>
        %gather3A_747 = tpu.vector_load_idx %arg14[%broadcast_in_dim3A_746] : memref<64xf32, #tpu.memory_space<vmem>>[vector<16xi32>], vector<16xf32>,
        %pack3A_748 = tpu.pack_subelements %gather3A_747, %gather3A_747 {pack_format = #tpu.pack_format<interleaved>, positions = array<i32: 0, 1>} : vector<16xf32>, vector<16xf32> -> vector<32xbf16>
        %add3A_749 = arith.constant 0 : i32
        %add3A_750 = arith.addi %add3A_749, %scan3A_745 : i32
        %get3A_751 = arith.index_cast %add3A_750 : i32 to index
        %get3A_752 = arith.constant 0 : index
        %get3A_753 = tpu.vector_load %arg12[%get3A_751, %get3A_752] {strides = array<i32>} : memref<128x64xi32, #tpu.memory_space<vmem>>, vector<16xi32>,
        %bitcast3A_754 = vector.bitcast %get3A_753 : vector<16xi32> to vector<32xbf16>
        %mul3A_755 = arith.mulf %pack3A_748, %bitcast3A_754 : vector<32xbf16>
        %unpack3A_756 = tpu.unpack_subelements %mul3A_755, 0 {pack_format = #tpu.pack_format<interleaved>} : vector<32xbf16> -> vector<16xf32>
        %unpack3A_757 = tpu.unpack_subelements %mul3A_755, 1 {pack_format = #tpu.pack_format<interleaved>} : vector<32xbf16> -> vector<16xf32>
        %add3A_758 = arith.addf %add3A_715, %unpack3A_756 : vector<16xf32>
        %add3A_759 = arith.addf %add3A_716, %unpack3A_757 : vector<16xf32>
        %get3A_760 = arith.index_cast %add3A_750 : i32 to index
        %get3A_761 = arith.constant 16 : index
        %get3A_762 = tpu.vector_load %arg12[%get3A_760, %get3A_761] {strides = array<i32>} : memref<128x64xi32, #tpu.memory_space<vmem>>, vector<16xi32>,
        %bitcast3A_763 = vector.bitcast %get3A_762 : vector<16xi32> to vector<32xbf16>
        %mul3A_764 = arith.mulf %pack3A_748, %bitcast3A_763 : vector<32xbf16>
        %unpack3A_765 = tpu.unpack_subelements %mul3A_764, 0 {pack_format = #tpu.pack_format<interleaved>} : vector<32xbf16> -> vector<16xf32>
        %unpack3A_766 = tpu.unpack_subelements %mul3A_764, 1 {pack_format = #tpu.pack_format<interleaved>} : vector<32xbf16> -> vector<16xf32>
        %add3A_767 = arith.addf %add3A_724, %unpack3A_765 : vector<16xf32>
        %add3A_768 = arith.addf %add3A_725, %unpack3A_766 : vector<16xf32>
        %get3A_769 = arith.index_cast %add3A_750 : i32 to index
        %get3A_770 = arith.constant 32 : index
        %get3A_771 = tpu.vector_load %arg12[%get3A_769, %get3A_770] {strides = array<i32>} : memref<128x64xi32, #tpu.memory_space<vmem>>, vector<16xi32>,
        %bitcast3A_772 = vector.bitcast %get3A_771 : vector<16xi32> to vector<32xbf16>
        %mul3A_773 = arith.mulf %pack3A_748, %bitcast3A_772 : vector<32xbf16>
        %unpack3A_774 = tpu.unpack_subelements %mul3A_773, 0 {pack_format = #tpu.pack_format<interleaved>} : vector<32xbf16> -> vector<16xf32>
        %unpack3A_775 = tpu.unpack_subelements %mul3A_773, 1 {pack_format = #tpu.pack_format<interleaved>} : vector<32xbf16> -> vector<16xf32>
        %add3A_776 = arith.addf %add3A_733, %unpack3A_774 : vector<16xf32>
        %add3A_777 = arith.addf %add3A_734, %unpack3A_775 : vector<16xf32>
        %get3A_778 = arith.index_cast %add3A_750 : i32 to index
        %get3A_779 = arith.constant 48 : index
        %get3A_780 = tpu.vector_load %arg12[%get3A_778, %get3A_779] {strides = array<i32>} : memref<128x64xi32, #tpu.memory_space<vmem>>, vector<16xi32>,
        %bitcast3A_781 = vector.bitcast %get3A_780 : vector<16xi32> to vector<32xbf16>
        %mul3A_782 = arith.mulf %pack3A_748, %bitcast3A_781 : vector<32xbf16>
        %unpack3A_783 = tpu.unpack_subelements %mul3A_782, 0 {pack_format = #tpu.pack_format<interleaved>} : vector<32xbf16> -> vector<16xf32>
        %unpack3A_784 = tpu.unpack_subelements %mul3A_782, 1 {pack_format = #tpu.pack_format<interleaved>} : vector<32xbf16> -> vector<16xf32>
        %add3A_785 = arith.addf %add3A_742, %unpack3A_783 : vector<16xf32>
        %add3A_786 = arith.addf %add3A_743, %unpack3A_784 : vector<16xf32>
        scf.yield %add3A_758, %add3A_759, %add3A_767, %add3A_768, %add3A_776, %add3A_777, %add3A_785, %add3A_786 : vector<16xf32>, vector<16xf32>, vector<16xf32>, vector<16xf32>, vector<16xf32>, vector<16xf32>, vector<16xf32>, vector<16xf32>
      }
      %scan3A_163 = arith.constant 64 : i32
      %iota3A = tpu.iota {dimensions = array<i32: 0>} : vector<16xi32>
      %mul3A_164 = arith.constant 2 : i32
      %mul3A_165 = vector.broadcast %mul3A_164 : i32 to vector<16xi32>
      %mul3A_166 = arith.muli %mul3A_165, %iota3A : vector<16xi32>
      %mul3A_167 = arith.constant 128 : i32
      %mul3A_168 = arith.muli %add3A_64, %mul3A_167 : i32
      %add3A_169 = arith.constant 0 : i32
      %add3A_170 = arith.addi %mul3A_168, %add3A_169 : i32
      %add3A_171 = vector.broadcast %add3A_170 : i32 to vector<16xi32>
      %add3A_172 = arith.addi %add3A_171, %mul3A_166 : vector<16xi32>
      tpu.vector_store_idx %arg15[%add3A_172], %scan3A_162#0 : memref<16384xf32, #tpu.memory_space<vmem>>[vector<16xi32>], vector<16xf32>,
      %add3A_173 = arith.constant 1 : i32
      %add3A_174 = arith.addi %add3A_170, %add3A_173 : i32
      %add3A_175 = vector.broadcast %add3A_174 : i32 to vector<16xi32>
      %add3A_176 = arith.addi %add3A_175, %mul3A_166 : vector<16xi32>
      tpu.vector_store_idx %arg15[%add3A_176], %scan3A_162#1 : memref<16384xf32, #tpu.memory_space<vmem>>[vector<16xi32>], vector<16xf32>,
      %mul3A_177 = arith.constant 128 : i32
      %mul3A_178 = arith.muli %add3A_64, %mul3A_177 : i32
      %add3A_179 = arith.constant 32 : i32
      %add3A_180 = arith.addi %mul3A_178, %add3A_179 : i32
      %add3A_181 = vector.broadcast %add3A_180 : i32 to vector<16xi32>
      %add3A_182 = arith.addi %add3A_181, %mul3A_166 : vector<16xi32>
      tpu.vector_store_idx %arg15[%add3A_182], %scan3A_162#2 : memref<16384xf32, #tpu.memory_space<vmem>>[vector<16xi32>], vector<16xf32>,
      %add3A_183 = arith.constant 1 : i32
      %add3A_184 = arith.addi %add3A_180, %add3A_183 : i32
      %add3A_185 = vector.broadcast %add3A_184 : i32 to vector<16xi32>
      %add3A_186 = arith.addi %add3A_185, %mul3A_166 : vector<16xi32>
      tpu.vector_store_idx %arg15[%add3A_186], %scan3A_162#3 : memref<16384xf32, #tpu.memory_space<vmem>>[vector<16xi32>], vector<16xf32>,
      %mul3A_187 = arith.constant 128 : i32
      %mul3A_188 = arith.muli %add3A_64, %mul3A_187 : i32
      %add3A_189 = arith.constant 64 : i32
      %add3A_190 = arith.addi %mul3A_188, %add3A_189 : i32
      %add3A_191 = vector.broadcast %add3A_190 : i32 to vector<16xi32>
      %add3A_192 = arith.addi %add3A_191, %mul3A_166 : vector<16xi32>
      tpu.vector_store_idx %arg15[%add3A_192], %scan3A_162#4 : memref<16384xf32, #tpu.memory_space<vmem>>[vector<16xi32>], vector<16xf32>,
      %add3A_193 = arith.constant 1 : i32
      %add3A_194 = arith.addi %add3A_190, %add3A_193 : i32
      %add3A_195 = vector.broadcast %add3A_194 : i32 to vector<16xi32>
      %add3A_196 = arith.addi %add3A_195, %mul3A_166 : vector<16xi32>
      tpu.vector_store_idx %arg15[%add3A_196], %scan3A_162#5 : memref<16384xf32, #tpu.memory_space<vmem>>[vector<16xi32>], vector<16xf32>,
      %mul3A_197 = arith.constant 128 : i32
      %mul3A_198 = arith.muli %add3A_64, %mul3A_197 : i32
      %add3A_199 = arith.constant 96 : i32
      %add3A_200 = arith.addi %mul3A_198, %add3A_199 : i32
      %add3A_201 = vector.broadcast %add3A_200 : i32 to vector<16xi32>
      %add3A_202 = arith.addi %add3A_201, %mul3A_166 : vector<16xi32>
      tpu.vector_store_idx %arg15[%add3A_202], %scan3A_162#6 : memref<16384xf32, #tpu.memory_space<vmem>>[vector<16xi32>], vector<16xf32>,
      %add3A_203 = arith.constant 1 : i32
      %add3A_204 = arith.addi %add3A_200, %add3A_203 : i32
      %add3A_205 = vector.broadcast %add3A_204 : i32 to vector<16xi32>
      %add3A_206 = arith.addi %add3A_205, %mul3A_166 : vector<16xi32>
      tpu.vector_store_idx %arg15[%add3A_206], %scan3A_162#7 : memref<16384xf32, #tpu.memory_space<vmem>>[vector<16xi32>], vector<16xf32>,
      %mul3A_207 = arith.constant 2 : i32
      %mul3A_208 = arith.muli %add3A_44, %mul3A_207 : i32
      %add3A_209 = arith.constant 1 : i32
      %add3A_210 = arith.addi %mul3A_208, %add3A_209 : i32
      %mul3A_211 = arith.constant 64 : i32
      %mul3A_212 = arith.muli %add3A_210, %mul3A_211 : i32
      %add3A_213 = arith.constant 0 : i32
      %add3A_214 = arith.addi %mul3A_212, %add3A_213 : i32
      %get3A_215 = arith.index_cast %add3A_214 : i32 to index
      %get3A_216 = tpu.vector_load %arg9[%get3A_215] {strides = array<i32>} : memref<8192xi32, #tpu.memory_space<vmem>>, vector<16xi32>,
      %broadcast_in_dim3A_217 = vector.broadcast %add3A_210 : i32 to vector<16xi32>
      %gather3A_218 = tpu.vector_load_idx %arg11[%broadcast_in_dim3A_217, %get3A_216] : memref<128x128xf32, #tpu.memory_space<vmem>>[vector<16xi32>, vector<16xi32>], vector<16xf32>,
      %mul3A_219 = arith.constant 64 : i32
      %mul3A_220 = arith.muli %add3A_210, %mul3A_219 : i32
      %add3A_221 = arith.constant 16 : i32
      %add3A_222 = arith.addi %mul3A_220, %add3A_221 : i32
      %get3A_223 = arith.index_cast %add3A_222 : i32 to index
      %get3A_224 = tpu.vector_load %arg9[%get3A_223] {strides = array<i32>} : memref<8192xi32, #tpu.memory_space<vmem>>, vector<16xi32>,
      %broadcast_in_dim3A_225 = vector.broadcast %add3A_210 : i32 to vector<16xi32>
      %gather3A_226 = tpu.vector_load_idx %arg11[%broadcast_in_dim3A_225, %get3A_224] : memref<128x128xf32, #tpu.memory_space<vmem>>[vector<16xi32>, vector<16xi32>], vector<16xf32>,
      %mul3A_227 = arith.constant 64 : i32
      %mul3A_228 = arith.muli %add3A_210, %mul3A_227 : i32
      %add3A_229 = arith.constant 32 : i32
      %add3A_230 = arith.addi %mul3A_228, %add3A_229 : i32
      %get3A_231 = arith.index_cast %add3A_230 : i32 to index
      %get3A_232 = tpu.vector_load %arg9[%get3A_231] {strides = array<i32>} : memref<8192xi32, #tpu.memory_space<vmem>>, vector<16xi32>,
      %broadcast_in_dim3A_233 = vector.broadcast %add3A_210 : i32 to vector<16xi32>
      %gather3A_234 = tpu.vector_load_idx %arg11[%broadcast_in_dim3A_233, %get3A_232] : memref<128x128xf32, #tpu.memory_space<vmem>>[vector<16xi32>, vector<16xi32>], vector<16xf32>,
      %mul3A_235 = arith.constant 64 : i32
      %mul3A_236 = arith.muli %add3A_210, %mul3A_235 : i32
      %add3A_237 = arith.constant 48 : i32
      %add3A_238 = arith.addi %mul3A_236, %add3A_237 : i32
      %get3A_239 = arith.index_cast %add3A_238 : i32 to index
      %get3A_240 = tpu.vector_load %arg9[%get3A_239] {strides = array<i32>} : memref<8192xi32, #tpu.memory_space<vmem>>, vector<16xi32>,
      %broadcast_in_dim3A_241 = vector.broadcast %add3A_210 : i32 to vector<16xi32>
      %gather3A_242 = tpu.vector_load_idx %arg11[%broadcast_in_dim3A_241, %get3A_240] : memref<128x128xf32, #tpu.memory_space<vmem>>[vector<16xi32>, vector<16xi32>], vector<16xf32>,
      %max3A_243 = arith.maximumf %gather3A_218, %gather3A_226 : vector<16xf32>
      %max3A_244 = arith.maximumf %gather3A_234, %gather3A_242 : vector<16xf32>
      %max3A_245 = arith.maximumf %max3A_243, %max3A_244 : vector<16xf32>
      %reduce_max3A_246 = arith.constant true
      %reduce_max3A_247 = vector.broadcast %reduce_max3A_246 : i1 to vector<16xi1>
      %reduce_max3A_248 = tpu.scan <max>, %max3A_245 masked %reduce_max3A_247 : vector<16xf32>, vector<16xi1> -> vector<16xf32>
      %reduce_max3A_249 = vector.extract %reduce_max3A_248[15] : f32 from vector<16xf32>
      %sub3A_250 = vector.broadcast %reduce_max3A_249 : f32 to vector<16xf32>
      %sub3A_251 = arith.subf %gather3A_218, %sub3A_250 : vector<16xf32>
      %exp3A_252 = math.exp %sub3A_251 : vector<16xf32>
      %sub3A_253 = vector.broadcast %reduce_max3A_249 : f32 to vector<16xf32>
      %sub3A_254 = arith.subf %gather3A_226, %sub3A_253 : vector<16xf32>
      %exp3A_255 = math.exp %sub3A_254 : vector<16xf32>
      %sub3A_256 = vector.broadcast %reduce_max3A_249 : f32 to vector<16xf32>
      %sub3A_257 = arith.subf %gather3A_234, %sub3A_256 : vector<16xf32>
      %exp3A_258 = math.exp %sub3A_257 : vector<16xf32>
      %sub3A_259 = vector.broadcast %reduce_max3A_249 : f32 to vector<16xf32>
      %sub3A_260 = arith.subf %gather3A_242, %sub3A_259 : vector<16xf32>
      %exp3A_261 = math.exp %sub3A_260 : vector<16xf32>
      %reduce_sum3A_262 = arith.constant true
      %reduce_sum3A_263 = vector.broadcast %reduce_sum3A_262 : i1 to vector<16xi1>
      %reduce_sum3A_264 = tpu.scan <sum>, %exp3A_252 masked %reduce_sum3A_263 : vector<16xf32>, vector<16xi1> -> vector<16xf32>
      %reduce_sum3A_265 = vector.extract %reduce_sum3A_264[15] : f32 from vector<16xf32>
      %reduce_sum3A_266 = arith.constant true
      %reduce_sum3A_267 = vector.broadcast %reduce_sum3A_266 : i1 to vector<16xi1>
      %reduce_sum3A_268 = tpu.scan <sum>, %exp3A_255 masked %reduce_sum3A_267 : vector<16xf32>, vector<16xi1> -> vector<16xf32>
      %reduce_sum3A_269 = vector.extract %reduce_sum3A_268[15] : f32 from vector<16xf32>
      %add3A_270 = arith.addf %reduce_sum3A_265, %reduce_sum3A_269 : f32
      %reduce_sum3A_271 = arith.constant true
      %reduce_sum3A_272 = vector.broadcast %reduce_sum3A_271 : i1 to vector<16xi1>
      %reduce_sum3A_273 = tpu.scan <sum>, %exp3A_258 masked %reduce_sum3A_272 : vector<16xf32>, vector<16xi1> -> vector<16xf32>
      %reduce_sum3A_274 = vector.extract %reduce_sum3A_273[15] : f32 from vector<16xf32>
      %add3A_275 = arith.addf %add3A_270, %reduce_sum3A_274 : f32
      %reduce_sum3A_276 = arith.constant true
      %reduce_sum3A_277 = vector.broadcast %reduce_sum3A_276 : i1 to vector<16xi1>
      %reduce_sum3A_278 = tpu.scan <sum>, %exp3A_261 masked %reduce_sum3A_277 : vector<16xf32>, vector<16xi1> -> vector<16xf32>
      %reduce_sum3A_279 = vector.extract %reduce_sum3A_278[15] : f32 from vector<16xf32>
      %add3A_280 = arith.addf %add3A_275, %reduce_sum3A_279 : f32
      %broadcast_in_dim3A_281 = arith.constant 1.000000e+00 : f32
      %broadcast_in_dim3A_282 = vector.broadcast %broadcast_in_dim3A_281 : f32 to vector<16xf32>
      %broadcast_in_dim3A_283 = vector.broadcast %add3A_280 : f32 to vector<16xf32>
      %div3A_284 = arith.divf %broadcast_in_dim3A_282, %broadcast_in_dim3A_283 : vector<16xf32>
      %mul3A_285 = arith.mulf %exp3A_252, %div3A_284 : vector<16xf32>
      %swap3A_286 = arith.constant 0 : index
      %swap3A_287 = tpu.vector_load %arg14[%swap3A_286] {strides = array<i32>} : memref<64xf32, #tpu.memory_space<vmem>>, vector<16xf32>,
      tpu.vector_store %arg14[%swap3A_286], %mul3A_285 {strides = array<i32>} : memref<64xf32, #tpu.memory_space<vmem>>, vector<16xf32>,
      %mul3A_288 = arith.mulf %exp3A_255, %div3A_284 : vector<16xf32>
      %swap3A_289 = arith.constant 16 : index
      %swap3A_290 = tpu.vector_load %arg14[%swap3A_289] {strides = array<i32>} : memref<64xf32, #tpu.memory_space<vmem>>, vector<16xf32>,
      tpu.vector_store %arg14[%swap3A_289], %mul3A_288 {strides = array<i32>} : memref<64xf32, #tpu.memory_space<vmem>>, vector<16xf32>,
      %mul3A_291 = arith.mulf %exp3A_258, %div3A_284 : vector<16xf32>
      %swap3A_292 = arith.constant 32 : index
      %swap3A_293 = tpu.vector_load %arg14[%swap3A_292] {strides = array<i32>} : memref<64xf32, #tpu.memory_space<vmem>>, vector<16xf32>,
      tpu.vector_store %arg14[%swap3A_292], %mul3A_291 {strides = array<i32>} : memref<64xf32, #tpu.memory_space<vmem>>, vector<16xf32>,
      %mul3A_294 = arith.mulf %exp3A_261, %div3A_284 : vector<16xf32>
      %swap3A_295 = arith.constant 48 : index
      %swap3A_296 = tpu.vector_load %arg14[%swap3A_295] {strides = array<i32>} : memref<64xf32, #tpu.memory_space<vmem>>, vector<16xf32>,
      tpu.vector_store %arg14[%swap3A_295], %mul3A_294 {strides = array<i32>} : memref<64xf32, #tpu.memory_space<vmem>>, vector<16xf32>,
      %broadcast_in_dim3A_297 = arith.constant 0.000000e+00 : f32
      %broadcast_in_dim3A_298 = vector.broadcast %broadcast_in_dim3A_297 : f32 to vector<16xf32>
      %broadcast_in_dim3A_299 = arith.constant 0.000000e+00 : f32
      %broadcast_in_dim3A_300 = vector.broadcast %broadcast_in_dim3A_299 : f32 to vector<16xf32>
      %broadcast_in_dim3A_301 = arith.constant 0.000000e+00 : f32
      %broadcast_in_dim3A_302 = vector.broadcast %broadcast_in_dim3A_301 : f32 to vector<16xf32>
      %broadcast_in_dim3A_303 = arith.constant 0.000000e+00 : f32
      %broadcast_in_dim3A_304 = vector.broadcast %broadcast_in_dim3A_303 : f32 to vector<16xf32>
      %broadcast_in_dim3A_305 = arith.constant 0.000000e+00 : f32
      %broadcast_in_dim3A_306 = vector.broadcast %broadcast_in_dim3A_305 : f32 to vector<16xf32>
      %broadcast_in_dim3A_307 = arith.constant 0.000000e+00 : f32
      %broadcast_in_dim3A_308 = vector.broadcast %broadcast_in_dim3A_307 : f32 to vector<16xf32>
      %broadcast_in_dim3A_309 = arith.constant 0.000000e+00 : f32
      %broadcast_in_dim3A_310 = vector.broadcast %broadcast_in_dim3A_309 : f32 to vector<16xf32>
      %broadcast_in_dim3A_311 = arith.constant 0.000000e+00 : f32
      %broadcast_in_dim3A_312 = vector.broadcast %broadcast_in_dim3A_311 : f32 to vector<16xf32>
      %scan3A_313 = arith.constant 0 : i32
      %scan3A_314 = arith.constant 64 : i32
      %scan3A_315 = arith.addi %scan3A_313, %scan3A_314 : i32
      %scan3A_316 = arith.constant 2 : i32
      %scan3A_317:8 = scf.for %scan3A_697 = %scan3A_313 to %scan3A_315 step %scan3A_316 iter_args(%scan3A_698 = %broadcast_in_dim3A_298, %scan3A_699 = %broadcast_in_dim3A_300, %scan3A_700 = %broadcast_in_dim3A_302, %scan3A_701 = %broadcast_in_dim3A_304, %scan3A_702 = %broadcast_in_dim3A_306, %scan3A_703 = %broadcast_in_dim3A_308, %scan3A_704 = %broadcast_in_dim3A_310, %scan3A_705 = %broadcast_in_dim3A_312) -> (vector<16xf32>, vector<16xf32>, vector<16xf32>, vector<16xf32>, vector<16xf32>, vector<16xf32>, vector<16xf32>, vector<16xf32>)  : i32 {
        %broadcast_in_dim3A_706 = vector.broadcast %scan3A_697 : i32 to vector<16xi32>
        %gather3A_707 = tpu.vector_load_idx %arg14[%broadcast_in_dim3A_706] : memref<64xf32, #tpu.memory_space<vmem>>[vector<16xi32>], vector<16xf32>,
        %pack3A = tpu.pack_subelements %gather3A_707, %gather3A_707 {pack_format = #tpu.pack_format<interleaved>, positions = array<i32: 0, 1>} : vector<16xf32>, vector<16xf32> -> vector<32xbf16>
        %add3A_708 = arith.constant 64 : i32
        %add3A_709 = arith.addi %add3A_708, %scan3A_697 : i32
        %get3A_710 = arith.index_cast %add3A_709 : i32 to index
        %get3A_711 = arith.constant 0 : index
        %get3A_712 = tpu.vector_load %arg12[%get3A_710, %get3A_711] {strides = array<i32>} : memref<128x64xi32, #tpu.memory_space<vmem>>, vector<16xi32>,
        %bitcast3A = vector.bitcast %get3A_712 : vector<16xi32> to vector<32xbf16>
        %mul3A_713 = arith.mulf %pack3A, %bitcast3A : vector<32xbf16>
        %unpack3A = tpu.unpack_subelements %mul3A_713, 0 {pack_format = #tpu.pack_format<interleaved>} : vector<32xbf16> -> vector<16xf32>
        %unpack3A_714 = tpu.unpack_subelements %mul3A_713, 1 {pack_format = #tpu.pack_format<interleaved>} : vector<32xbf16> -> vector<16xf32>
        %add3A_715 = arith.addf %scan3A_698, %unpack3A : vector<16xf32>
        %add3A_716 = arith.addf %scan3A_699, %unpack3A_714 : vector<16xf32>
        %get3A_717 = arith.index_cast %add3A_709 : i32 to index
        %get3A_718 = arith.constant 16 : index
        %get3A_719 = tpu.vector_load %arg12[%get3A_717, %get3A_718] {strides = array<i32>} : memref<128x64xi32, #tpu.memory_space<vmem>>, vector<16xi32>,
        %bitcast3A_720 = vector.bitcast %get3A_719 : vector<16xi32> to vector<32xbf16>
        %mul3A_721 = arith.mulf %pack3A, %bitcast3A_720 : vector<32xbf16>
        %unpack3A_722 = tpu.unpack_subelements %mul3A_721, 0 {pack_format = #tpu.pack_format<interleaved>} : vector<32xbf16> -> vector<16xf32>
        %unpack3A_723 = tpu.unpack_subelements %mul3A_721, 1 {pack_format = #tpu.pack_format<interleaved>} : vector<32xbf16> -> vector<16xf32>
        %add3A_724 = arith.addf %scan3A_700, %unpack3A_722 : vector<16xf32>
        %add3A_725 = arith.addf %scan3A_701, %unpack3A_723 : vector<16xf32>
        %get3A_726 = arith.index_cast %add3A_709 : i32 to index
        %get3A_727 = arith.constant 32 : index
        %get3A_728 = tpu.vector_load %arg12[%get3A_726, %get3A_727] {strides = array<i32>} : memref<128x64xi32, #tpu.memory_space<vmem>>, vector<16xi32>,
        %bitcast3A_729 = vector.bitcast %get3A_728 : vector<16xi32> to vector<32xbf16>
        %mul3A_730 = arith.mulf %pack3A, %bitcast3A_729 : vector<32xbf16>
        %unpack3A_731 = tpu.unpack_subelements %mul3A_730, 0 {pack_format = #tpu.pack_format<interleaved>} : vector<32xbf16> -> vector<16xf32>
        %unpack3A_732 = tpu.unpack_subelements %mul3A_730, 1 {pack_format = #tpu.pack_format<interleaved>} : vector<32xbf16> -> vector<16xf32>
        %add3A_733 = arith.addf %scan3A_702, %unpack3A_731 : vector<16xf32>
        %add3A_734 = arith.addf %scan3A_703, %unpack3A_732 : vector<16xf32>
        %get3A_735 = arith.index_cast %add3A_709 : i32 to index
        %get3A_736 = arith.constant 48 : index
        %get3A_737 = tpu.vector_load %arg12[%get3A_735, %get3A_736] {strides = array<i32>} : memref<128x64xi32, #tpu.memory_space<vmem>>, vector<16xi32>,
        %bitcast3A_738 = vector.bitcast %get3A_737 : vector<16xi32> to vector<32xbf16>
        %mul3A_739 = arith.mulf %pack3A, %bitcast3A_738 : vector<32xbf16>
        %unpack3A_740 = tpu.unpack_subelements %mul3A_739, 0 {pack_format = #tpu.pack_format<interleaved>} : vector<32xbf16> -> vector<16xf32>
        %unpack3A_741 = tpu.unpack_subelements %mul3A_739, 1 {pack_format = #tpu.pack_format<interleaved>} : vector<32xbf16> -> vector<16xf32>
        %add3A_742 = arith.addf %scan3A_704, %unpack3A_740 : vector<16xf32>
        %add3A_743 = arith.addf %scan3A_705, %unpack3A_741 : vector<16xf32>
        %scan3A_744 = arith.constant 1 : i32
        %scan3A_745 = arith.addi %scan3A_697, %scan3A_744 : i32
        %broadcast_in_dim3A_746 = vector.broadcast %scan3A_745 : i32 to vector<16xi32>
        %gather3A_747 = tpu.vector_load_idx %arg14[%broadcast_in_dim3A_746] : memref<64xf32, #tpu.memory_space<vmem>>[vector<16xi32>], vector<16xf32>,
        %pack3A_748 = tpu.pack_subelements %gather3A_747, %gather3A_747 {pack_format = #tpu.pack_format<interleaved>, positions = array<i32: 0, 1>} : vector<16xf32>, vector<16xf32> -> vector<32xbf16>
        %add3A_749 = arith.constant 64 : i32
        %add3A_750 = arith.addi %add3A_749, %scan3A_745 : i32
        %get3A_751 = arith.index_cast %add3A_750 : i32 to index
        %get3A_752 = arith.constant 0 : index
        %get3A_753 = tpu.vector_load %arg12[%get3A_751, %get3A_752] {strides = array<i32>} : memref<128x64xi32, #tpu.memory_space<vmem>>, vector<16xi32>,
        %bitcast3A_754 = vector.bitcast %get3A_753 : vector<16xi32> to vector<32xbf16>
        %mul3A_755 = arith.mulf %pack3A_748, %bitcast3A_754 : vector<32xbf16>
        %unpack3A_756 = tpu.unpack_subelements %mul3A_755, 0 {pack_format = #tpu.pack_format<interleaved>} : vector<32xbf16> -> vector<16xf32>
        %unpack3A_757 = tpu.unpack_subelements %mul3A_755, 1 {pack_format = #tpu.pack_format<interleaved>} : vector<32xbf16> -> vector<16xf32>
        %add3A_758 = arith.addf %add3A_715, %unpack3A_756 : vector<16xf32>
        %add3A_759 = arith.addf %add3A_716, %unpack3A_757 : vector<16xf32>
        %get3A_760 = arith.index_cast %add3A_750 : i32 to index
        %get3A_761 = arith.constant 16 : index
        %get3A_762 = tpu.vector_load %arg12[%get3A_760, %get3A_761] {strides = array<i32>} : memref<128x64xi32, #tpu.memory_space<vmem>>, vector<16xi32>,
        %bitcast3A_763 = vector.bitcast %get3A_762 : vector<16xi32> to vector<32xbf16>
        %mul3A_764 = arith.mulf %pack3A_748, %bitcast3A_763 : vector<32xbf16>
        %unpack3A_765 = tpu.unpack_subelements %mul3A_764, 0 {pack_format = #tpu.pack_format<interleaved>} : vector<32xbf16> -> vector<16xf32>
        %unpack3A_766 = tpu.unpack_subelements %mul3A_764, 1 {pack_format = #tpu.pack_format<interleaved>} : vector<32xbf16> -> vector<16xf32>
        %add3A_767 = arith.addf %add3A_724, %unpack3A_765 : vector<16xf32>
        %add3A_768 = arith.addf %add3A_725, %unpack3A_766 : vector<16xf32>
        %get3A_769 = arith.index_cast %add3A_750 : i32 to index
        %get3A_770 = arith.constant 32 : index
        %get3A_771 = tpu.vector_load %arg12[%get3A_769, %get3A_770] {strides = array<i32>} : memref<128x64xi32, #tpu.memory_space<vmem>>, vector<16xi32>,
        %bitcast3A_772 = vector.bitcast %get3A_771 : vector<16xi32> to vector<32xbf16>
        %mul3A_773 = arith.mulf %pack3A_748, %bitcast3A_772 : vector<32xbf16>
        %unpack3A_774 = tpu.unpack_subelements %mul3A_773, 0 {pack_format = #tpu.pack_format<interleaved>} : vector<32xbf16> -> vector<16xf32>
        %unpack3A_775 = tpu.unpack_subelements %mul3A_773, 1 {pack_format = #tpu.pack_format<interleaved>} : vector<32xbf16> -> vector<16xf32>
        %add3A_776 = arith.addf %add3A_733, %unpack3A_774 : vector<16xf32>
        %add3A_777 = arith.addf %add3A_734, %unpack3A_775 : vector<16xf32>
        %get3A_778 = arith.index_cast %add3A_750 : i32 to index
        %get3A_779 = arith.constant 48 : index
        %get3A_780 = tpu.vector_load %arg12[%get3A_778, %get3A_779] {strides = array<i32>} : memref<128x64xi32, #tpu.memory_space<vmem>>, vector<16xi32>,
        %bitcast3A_781 = vector.bitcast %get3A_780 : vector<16xi32> to vector<32xbf16>
        %mul3A_782 = arith.mulf %pack3A_748, %bitcast3A_781 : vector<32xbf16>
        %unpack3A_783 = tpu.unpack_subelements %mul3A_782, 0 {pack_format = #tpu.pack_format<interleaved>} : vector<32xbf16> -> vector<16xf32>
        %unpack3A_784 = tpu.unpack_subelements %mul3A_782, 1 {pack_format = #tpu.pack_format<interleaved>} : vector<32xbf16> -> vector<16xf32>
        %add3A_785 = arith.addf %add3A_742, %unpack3A_783 : vector<16xf32>
        %add3A_786 = arith.addf %add3A_743, %unpack3A_784 : vector<16xf32>
        scf.yield %add3A_758, %add3A_759, %add3A_767, %add3A_768, %add3A_776, %add3A_777, %add3A_785, %add3A_786 : vector<16xf32>, vector<16xf32>, vector<16xf32>, vector<16xf32>, vector<16xf32>, vector<16xf32>, vector<16xf32>, vector<16xf32>
      }
      %scan3A_318 = arith.constant 64 : i32
      %iota3A_319 = tpu.iota {dimensions = array<i32: 0>} : vector<16xi32>
      %mul3A_320 = arith.constant 2 : i32
      %mul3A_321 = vector.broadcast %mul3A_320 : i32 to vector<16xi32>
      %mul3A_322 = arith.muli %mul3A_321, %iota3A_319 : vector<16xi32>
      %mul3A_323 = arith.constant 128 : i32
      %mul3A_324 = arith.muli %add3A_210, %mul3A_323 : i32
      %add3A_325 = arith.constant 0 : i32
      %add3A_326 = arith.addi %mul3A_324, %add3A_325 : i32
      %add3A_327 = vector.broadcast %add3A_326 : i32 to vector<16xi32>
      %add3A_328 = arith.addi %add3A_327, %mul3A_322 : vector<16xi32>
      tpu.vector_store_idx %arg15[%add3A_328], %scan3A_317#0 : memref<16384xf32, #tpu.memory_space<vmem>>[vector<16xi32>], vector<16xf32>,
      %add3A_329 = arith.constant 1 : i32
      %add3A_330 = arith.addi %add3A_326, %add3A_329 : i32
      %add3A_331 = vector.broadcast %add3A_330 : i32 to vector<16xi32>
      %add3A_332 = arith.addi %add3A_331, %mul3A_322 : vector<16xi32>
      tpu.vector_store_idx %arg15[%add3A_332], %scan3A_317#1 : memref<16384xf32, #tpu.memory_space<vmem>>[vector<16xi32>], vector<16xf32>,
      %mul3A_333 = arith.constant 128 : i32
      %mul3A_334 = arith.muli %add3A_210, %mul3A_333 : i32
      %add3A_335 = arith.constant 32 : i32
      %add3A_336 = arith.addi %mul3A_334, %add3A_335 : i32
      %add3A_337 = vector.broadcast %add3A_336 : i32 to vector<16xi32>
      %add3A_338 = arith.addi %add3A_337, %mul3A_322 : vector<16xi32>
      tpu.vector_store_idx %arg15[%add3A_338], %scan3A_317#2 : memref<16384xf32, #tpu.memory_space<vmem>>[vector<16xi32>], vector<16xf32>,
      %add3A_339 = arith.constant 1 : i32
      %add3A_340 = arith.addi %add3A_336, %add3A_339 : i32
      %add3A_341 = vector.broadcast %add3A_340 : i32 to vector<16xi32>
      %add3A_342 = arith.addi %add3A_341, %mul3A_322 : vector<16xi32>
      tpu.vector_store_idx %arg15[%add3A_342], %scan3A_317#3 : memref<16384xf32, #tpu.memory_space<vmem>>[vector<16xi32>], vector<16xf32>,
      %mul3A_343 = arith.constant 128 : i32
      %mul3A_344 = arith.muli %add3A_210, %mul3A_343 : i32
      %add3A_345 = arith.constant 64 : i32
      %add3A_346 = arith.addi %mul3A_344, %add3A_345 : i32
      %add3A_347 = vector.broadcast %add3A_346 : i32 to vector<16xi32>
      %add3A_348 = arith.addi %add3A_347, %mul3A_322 : vector<16xi32>
      tpu.vector_store_idx %arg15[%add3A_348], %scan3A_317#4 : memref<16384xf32, #tpu.memory_space<vmem>>[vector<16xi32>], vector<16xf32>,
      %add3A_349 = arith.constant 1 : i32
      %add3A_350 = arith.addi %add3A_346, %add3A_349 : i32
      %add3A_351 = vector.broadcast %add3A_350 : i32 to vector<16xi32>
      %add3A_352 = arith.addi %add3A_351, %mul3A_322 : vector<16xi32>
      tpu.vector_store_idx %arg15[%add3A_352], %scan3A_317#5 : memref<16384xf32, #tpu.memory_space<vmem>>[vector<16xi32>], vector<16xf32>,
      %mul3A_353 = arith.constant 128 : i32
      %mul3A_354 = arith.muli %add3A_210, %mul3A_353 : i32
      %add3A_355 = arith.constant 96 : i32
      %add3A_356 = arith.addi %mul3A_354, %add3A_355 : i32
      %add3A_357 = vector.broadcast %add3A_356 : i32 to vector<16xi32>
      %add3A_358 = arith.addi %add3A_357, %mul3A_322 : vector<16xi32>
      tpu.vector_store_idx %arg15[%add3A_358], %scan3A_317#6 : memref<16384xf32, #tpu.memory_space<vmem>>[vector<16xi32>], vector<16xf32>,
      %add3A_359 = arith.constant 1 : i32
      %add3A_360 = arith.addi %add3A_356, %add3A_359 : i32
      %add3A_361 = vector.broadcast %add3A_360 : i32 to vector<16xi32>
      %add3A_362 = arith.addi %add3A_361, %mul3A_322 : vector<16xi32>
      tpu.vector_store_idx %arg15[%add3A_362], %scan3A_317#7 : memref<16384xf32, #tpu.memory_space<vmem>>[vector<16xi32>], vector<16xf32>,
      %mul3A_363 = arith.constant 2 : i32
      %mul3A_364 = arith.muli %scan3A_40, %mul3A_363 : i32
      %add3A_365 = arith.constant 1 : i32
      %add3A_366 = arith.addi %mul3A_364, %add3A_365 : i32
      %add3A_367 = arith.constant 2 : i32
      %add3A_368 = arith.addi %add3A_366, %add3A_367 : i32
      %sub3A_369 = arith.constant 1 : i32
      %sub3A_370 = arith.subi %add3A_368, %sub3A_369 : i32
      %min3A_371 = arith.constant 63 : i32
      %min3A_372 = arith.minsi %sub3A_370, %min3A_371 : i32
      %dma_start3A_373 = arith.constant 0 : i32
      %dma_start3A_374 = tpu.memref_slice %arg10[%min3A_372, %dma_start3A_373] : memref<64x128xi32, #tpu.memory_space<vmem>> -> memref<1x128xi32, #tpu.memory_space<vmem>>
      %dma_start3A_375 = tpu.memref_squeeze %dma_start3A_374 : memref<1x128xi32, #tpu.memory_space<vmem>> -> memref<128xi32, #tpu.memory_space<vmem>>
      %dma_start3A_376 = arith.constant 0 : i32
      %dma_start3A_377 = arith.constant 0 : i32
      %dma_start3A_378 = tpu.memref_slice %arg16[%dma_start3A_376, %dma_start3A_377] : memref<9472x64xi32, #tpu.memory_space<vmem_shared>> -> memref<9472x64xi32, #tpu.memory_space<vmem_shared>>
      tpu.enqueue_indirect_dma source(%dma_start3A_378 : memref<9472x64xi32, #tpu.memory_space<vmem_shared>>) target(%arg12 : memref<128x64xi32, #tpu.memory_space<vmem>>) offsets(%dma_start3A_375 : memref<128xi32, #tpu.memory_space<vmem>>) semaphore(%arg17 : memref<!tpu.dma_semaphore, #tpu.memory_space<semaphore_mem>>)
      %dma_wait3A_379 = arith.constant 0 : i32
      %dma_wait3A_380 = tpu.memref_slice %arg10[%add3A_366, %dma_wait3A_379] : memref<64x128xi32, #tpu.memory_space<vmem>> -> memref<1x128xi32, #tpu.memory_space<vmem>>
      %dma_wait3A_381 = tpu.memref_squeeze %dma_wait3A_380 : memref<1x128xi32, #tpu.memory_space<vmem>> -> memref<128xi32, #tpu.memory_space<vmem>>
      %dma_wait3A_382 = arith.constant 0 : i32
      %dma_wait3A_383 = arith.constant 0 : i32
      %dma_wait3A_384 = tpu.memref_slice %arg16[%dma_wait3A_382, %dma_wait3A_383] : memref<9472x64xi32, #tpu.memory_space<vmem_shared>> -> memref<9472x64xi32, #tpu.memory_space<vmem_shared>>
      tpu.wait_indirect_dma semaphore(%arg18 : memref<!tpu.dma_semaphore, #tpu.memory_space<semaphore_mem>>) src(%dma_wait3A_384 : memref<9472x64xi32, #tpu.memory_space<vmem_shared>>) dst(%arg13 : memref<128x64xi32, #tpu.memory_space<vmem>>)
      %mul3A_385 = arith.constant 2 : i32
      %mul3A_386 = arith.muli %add3A_366, %mul3A_385 : i32
      %add3A_387 = arith.constant 0 : i32
      %add3A_388 = arith.addi %mul3A_386, %add3A_387 : i32
      %mul3A_389 = arith.constant 64 : i32
      %mul3A_390 = arith.muli %add3A_388, %mul3A_389 : i32
      %add3A_391 = arith.constant 0 : i32
      %add3A_392 = arith.addi %mul3A_390, %add3A_391 : i32
      %get3A_393 = arith.index_cast %add3A_392 : i32 to index
      %get3A_394 = tpu.vector_load %arg9[%get3A_393] {strides = array<i32>} : memref<8192xi32, #tpu.memory_space<vmem>>, vector<16xi32>,
      %broadcast_in_dim3A_395 = vector.broadcast %add3A_388 : i32 to vector<16xi32>
      %gather3A_396 = tpu.vector_load_idx %arg11[%broadcast_in_dim3A_395, %get3A_394] : memref<128x128xf32, #tpu.memory_space<vmem>>[vector<16xi32>, vector<16xi32>], vector<16xf32>,
      %mul3A_397 = arith.constant 64 : i32
      %mul3A_398 = arith.muli %add3A_388, %mul3A_397 : i32
      %add3A_399 = arith.constant 16 : i32
      %add3A_400 = arith.addi %mul3A_398, %add3A_399 : i32
      %get3A_401 = arith.index_cast %add3A_400 : i32 to index
      %get3A_402 = tpu.vector_load %arg9[%get3A_401] {strides = array<i32>} : memref<8192xi32, #tpu.memory_space<vmem>>, vector<16xi32>,
      %broadcast_in_dim3A_403 = vector.broadcast %add3A_388 : i32 to vector<16xi32>
      %gather3A_404 = tpu.vector_load_idx %arg11[%broadcast_in_dim3A_403, %get3A_402] : memref<128x128xf32, #tpu.memory_space<vmem>>[vector<16xi32>, vector<16xi32>], vector<16xf32>,
      %mul3A_405 = arith.constant 64 : i32
      %mul3A_406 = arith.muli %add3A_388, %mul3A_405 : i32
      %add3A_407 = arith.constant 32 : i32
      %add3A_408 = arith.addi %mul3A_406, %add3A_407 : i32
      %get3A_409 = arith.index_cast %add3A_408 : i32 to index
      %get3A_410 = tpu.vector_load %arg9[%get3A_409] {strides = array<i32>} : memref<8192xi32, #tpu.memory_space<vmem>>, vector<16xi32>,
      %broadcast_in_dim3A_411 = vector.broadcast %add3A_388 : i32 to vector<16xi32>
      %gather3A_412 = tpu.vector_load_idx %arg11[%broadcast_in_dim3A_411, %get3A_410] : memref<128x128xf32, #tpu.memory_space<vmem>>[vector<16xi32>, vector<16xi32>], vector<16xf32>,
      %mul3A_413 = arith.constant 64 : i32
      %mul3A_414 = arith.muli %add3A_388, %mul3A_413 : i32
      %add3A_415 = arith.constant 48 : i32
      %add3A_416 = arith.addi %mul3A_414, %add3A_415 : i32
      %get3A_417 = arith.index_cast %add3A_416 : i32 to index
      %get3A_418 = tpu.vector_load %arg9[%get3A_417] {strides = array<i32>} : memref<8192xi32, #tpu.memory_space<vmem>>, vector<16xi32>,
      %broadcast_in_dim3A_419 = vector.broadcast %add3A_388 : i32 to vector<16xi32>
      %gather3A_420 = tpu.vector_load_idx %arg11[%broadcast_in_dim3A_419, %get3A_418] : memref<128x128xf32, #tpu.memory_space<vmem>>[vector<16xi32>, vector<16xi32>], vector<16xf32>,
      %max3A_421 = arith.maximumf %gather3A_396, %gather3A_404 : vector<16xf32>
      %max3A_422 = arith.maximumf %gather3A_412, %gather3A_420 : vector<16xf32>
      %max3A_423 = arith.maximumf %max3A_421, %max3A_422 : vector<16xf32>
      %reduce_max3A_424 = arith.constant true
      %reduce_max3A_425 = vector.broadcast %reduce_max3A_424 : i1 to vector<16xi1>
      %reduce_max3A_426 = tpu.scan <max>, %max3A_423 masked %reduce_max3A_425 : vector<16xf32>, vector<16xi1> -> vector<16xf32>
      %reduce_max3A_427 = vector.extract %reduce_max3A_426[15] : f32 from vector<16xf32>
      %sub3A_428 = vector.broadcast %reduce_max3A_427 : f32 to vector<16xf32>
      %sub3A_429 = arith.subf %gather3A_396, %sub3A_428 : vector<16xf32>
      %exp3A_430 = math.exp %sub3A_429 : vector<16xf32>
      %sub3A_431 = vector.broadcast %reduce_max3A_427 : f32 to vector<16xf32>
      %sub3A_432 = arith.subf %gather3A_404, %sub3A_431 : vector<16xf32>
      %exp3A_433 = math.exp %sub3A_432 : vector<16xf32>
      %sub3A_434 = vector.broadcast %reduce_max3A_427 : f32 to vector<16xf32>
      %sub3A_435 = arith.subf %gather3A_412, %sub3A_434 : vector<16xf32>
      %exp3A_436 = math.exp %sub3A_435 : vector<16xf32>
      %sub3A_437 = vector.broadcast %reduce_max3A_427 : f32 to vector<16xf32>
      %sub3A_438 = arith.subf %gather3A_420, %sub3A_437 : vector<16xf32>
      %exp3A_439 = math.exp %sub3A_438 : vector<16xf32>
      %reduce_sum3A_440 = arith.constant true
      %reduce_sum3A_441 = vector.broadcast %reduce_sum3A_440 : i1 to vector<16xi1>
      %reduce_sum3A_442 = tpu.scan <sum>, %exp3A_430 masked %reduce_sum3A_441 : vector<16xf32>, vector<16xi1> -> vector<16xf32>
      %reduce_sum3A_443 = vector.extract %reduce_sum3A_442[15] : f32 from vector<16xf32>
      %reduce_sum3A_444 = arith.constant true
      %reduce_sum3A_445 = vector.broadcast %reduce_sum3A_444 : i1 to vector<16xi1>
      %reduce_sum3A_446 = tpu.scan <sum>, %exp3A_433 masked %reduce_sum3A_445 : vector<16xf32>, vector<16xi1> -> vector<16xf32>
      %reduce_sum3A_447 = vector.extract %reduce_sum3A_446[15] : f32 from vector<16xf32>
      %add3A_448 = arith.addf %reduce_sum3A_443, %reduce_sum3A_447 : f32
      %reduce_sum3A_449 = arith.constant true
      %reduce_sum3A_450 = vector.broadcast %reduce_sum3A_449 : i1 to vector<16xi1>
      %reduce_sum3A_451 = tpu.scan <sum>, %exp3A_436 masked %reduce_sum3A_450 : vector<16xf32>, vector<16xi1> -> vector<16xf32>
      %reduce_sum3A_452 = vector.extract %reduce_sum3A_451[15] : f32 from vector<16xf32>
      %add3A_453 = arith.addf %add3A_448, %reduce_sum3A_452 : f32
      %reduce_sum3A_454 = arith.constant true
      %reduce_sum3A_455 = vector.broadcast %reduce_sum3A_454 : i1 to vector<16xi1>
      %reduce_sum3A_456 = tpu.scan <sum>, %exp3A_439 masked %reduce_sum3A_455 : vector<16xf32>, vector<16xi1> -> vector<16xf32>
      %reduce_sum3A_457 = vector.extract %reduce_sum3A_456[15] : f32 from vector<16xf32>
      %add3A_458 = arith.addf %add3A_453, %reduce_sum3A_457 : f32
      %broadcast_in_dim3A_459 = arith.constant 1.000000e+00 : f32
      %broadcast_in_dim3A_460 = vector.broadcast %broadcast_in_dim3A_459 : f32 to vector<16xf32>
      %broadcast_in_dim3A_461 = vector.broadcast %add3A_458 : f32 to vector<16xf32>
      %div3A_462 = arith.divf %broadcast_in_dim3A_460, %broadcast_in_dim3A_461 : vector<16xf32>
      %mul3A_463 = arith.mulf %exp3A_430, %div3A_462 : vector<16xf32>
      %swap3A_464 = arith.constant 0 : index
      %swap3A_465 = tpu.vector_load %arg14[%swap3A_464] {strides = array<i32>} : memref<64xf32, #tpu.memory_space<vmem>>, vector<16xf32>,
      tpu.vector_store %arg14[%swap3A_464], %mul3A_463 {strides = array<i32>} : memref<64xf32, #tpu.memory_space<vmem>>, vector<16xf32>,
      %mul3A_466 = arith.mulf %exp3A_433, %div3A_462 : vector<16xf32>
      %swap3A_467 = arith.constant 16 : index
      %swap3A_468 = tpu.vector_load %arg14[%swap3A_467] {strides = array<i32>} : memref<64xf32, #tpu.memory_space<vmem>>, vector<16xf32>,
      tpu.vector_store %arg14[%swap3A_467], %mul3A_466 {strides = array<i32>} : memref<64xf32, #tpu.memory_space<vmem>>, vector<16xf32>,
      %mul3A_469 = arith.mulf %exp3A_436, %div3A_462 : vector<16xf32>
      %swap3A_470 = arith.constant 32 : index
      %swap3A_471 = tpu.vector_load %arg14[%swap3A_470] {strides = array<i32>} : memref<64xf32, #tpu.memory_space<vmem>>, vector<16xf32>,
      tpu.vector_store %arg14[%swap3A_470], %mul3A_469 {strides = array<i32>} : memref<64xf32, #tpu.memory_space<vmem>>, vector<16xf32>,
      %mul3A_472 = arith.mulf %exp3A_439, %div3A_462 : vector<16xf32>
      %swap3A_473 = arith.constant 48 : index
      %swap3A_474 = tpu.vector_load %arg14[%swap3A_473] {strides = array<i32>} : memref<64xf32, #tpu.memory_space<vmem>>, vector<16xf32>,
      tpu.vector_store %arg14[%swap3A_473], %mul3A_472 {strides = array<i32>} : memref<64xf32, #tpu.memory_space<vmem>>, vector<16xf32>,
      %broadcast_in_dim3A_475 = arith.constant 0.000000e+00 : f32
      %broadcast_in_dim3A_476 = vector.broadcast %broadcast_in_dim3A_475 : f32 to vector<16xf32>
      %broadcast_in_dim3A_477 = arith.constant 0.000000e+00 : f32
      %broadcast_in_dim3A_478 = vector.broadcast %broadcast_in_dim3A_477 : f32 to vector<16xf32>
      %broadcast_in_dim3A_479 = arith.constant 0.000000e+00 : f32
      %broadcast_in_dim3A_480 = vector.broadcast %broadcast_in_dim3A_479 : f32 to vector<16xf32>
      %broadcast_in_dim3A_481 = arith.constant 0.000000e+00 : f32
      %broadcast_in_dim3A_482 = vector.broadcast %broadcast_in_dim3A_481 : f32 to vector<16xf32>
      %broadcast_in_dim3A_483 = arith.constant 0.000000e+00 : f32
      %broadcast_in_dim3A_484 = vector.broadcast %broadcast_in_dim3A_483 : f32 to vector<16xf32>
      %broadcast_in_dim3A_485 = arith.constant 0.000000e+00 : f32
      %broadcast_in_dim3A_486 = vector.broadcast %broadcast_in_dim3A_485 : f32 to vector<16xf32>
      %broadcast_in_dim3A_487 = arith.constant 0.000000e+00 : f32
      %broadcast_in_dim3A_488 = vector.broadcast %broadcast_in_dim3A_487 : f32 to vector<16xf32>
      %broadcast_in_dim3A_489 = arith.constant 0.000000e+00 : f32
      %broadcast_in_dim3A_490 = vector.broadcast %broadcast_in_dim3A_489 : f32 to vector<16xf32>
      %scan3A_491 = arith.constant 0 : i32
      %scan3A_492 = arith.constant 64 : i32
      %scan3A_493 = arith.addi %scan3A_491, %scan3A_492 : i32
      %scan3A_494 = arith.constant 2 : i32
      %scan3A_495:8 = scf.for %scan3A_697 = %scan3A_491 to %scan3A_493 step %scan3A_494 iter_args(%scan3A_698 = %broadcast_in_dim3A_476, %scan3A_699 = %broadcast_in_dim3A_478, %scan3A_700 = %broadcast_in_dim3A_480, %scan3A_701 = %broadcast_in_dim3A_482, %scan3A_702 = %broadcast_in_dim3A_484, %scan3A_703 = %broadcast_in_dim3A_486, %scan3A_704 = %broadcast_in_dim3A_488, %scan3A_705 = %broadcast_in_dim3A_490) -> (vector<16xf32>, vector<16xf32>, vector<16xf32>, vector<16xf32>, vector<16xf32>, vector<16xf32>, vector<16xf32>, vector<16xf32>)  : i32 {
        %broadcast_in_dim3A_706 = vector.broadcast %scan3A_697 : i32 to vector<16xi32>
        %gather3A_707 = tpu.vector_load_idx %arg14[%broadcast_in_dim3A_706] : memref<64xf32, #tpu.memory_space<vmem>>[vector<16xi32>], vector<16xf32>,
        %pack3A = tpu.pack_subelements %gather3A_707, %gather3A_707 {pack_format = #tpu.pack_format<interleaved>, positions = array<i32: 0, 1>} : vector<16xf32>, vector<16xf32> -> vector<32xbf16>
        %add3A_708 = arith.constant 0 : i32
        %add3A_709 = arith.addi %add3A_708, %scan3A_697 : i32
        %get3A_710 = arith.index_cast %add3A_709 : i32 to index
        %get3A_711 = arith.constant 0 : index
        %get3A_712 = tpu.vector_load %arg13[%get3A_710, %get3A_711] {strides = array<i32>} : memref<128x64xi32, #tpu.memory_space<vmem>>, vector<16xi32>,
        %bitcast3A = vector.bitcast %get3A_712 : vector<16xi32> to vector<32xbf16>
        %mul3A_713 = arith.mulf %pack3A, %bitcast3A : vector<32xbf16>
        %unpack3A = tpu.unpack_subelements %mul3A_713, 0 {pack_format = #tpu.pack_format<interleaved>} : vector<32xbf16> -> vector<16xf32>
        %unpack3A_714 = tpu.unpack_subelements %mul3A_713, 1 {pack_format = #tpu.pack_format<interleaved>} : vector<32xbf16> -> vector<16xf32>
        %add3A_715 = arith.addf %scan3A_698, %unpack3A : vector<16xf32>
        %add3A_716 = arith.addf %scan3A_699, %unpack3A_714 : vector<16xf32>
        %get3A_717 = arith.index_cast %add3A_709 : i32 to index
        %get3A_718 = arith.constant 16 : index
        %get3A_719 = tpu.vector_load %arg13[%get3A_717, %get3A_718] {strides = array<i32>} : memref<128x64xi32, #tpu.memory_space<vmem>>, vector<16xi32>,
        %bitcast3A_720 = vector.bitcast %get3A_719 : vector<16xi32> to vector<32xbf16>
        %mul3A_721 = arith.mulf %pack3A, %bitcast3A_720 : vector<32xbf16>
        %unpack3A_722 = tpu.unpack_subelements %mul3A_721, 0 {pack_format = #tpu.pack_format<interleaved>} : vector<32xbf16> -> vector<16xf32>
        %unpack3A_723 = tpu.unpack_subelements %mul3A_721, 1 {pack_format = #tpu.pack_format<interleaved>} : vector<32xbf16> -> vector<16xf32>
        %add3A_724 = arith.addf %scan3A_700, %unpack3A_722 : vector<16xf32>
        %add3A_725 = arith.addf %scan3A_701, %unpack3A_723 : vector<16xf32>
        %get3A_726 = arith.index_cast %add3A_709 : i32 to index
        %get3A_727 = arith.constant 32 : index
        %get3A_728 = tpu.vector_load %arg13[%get3A_726, %get3A_727] {strides = array<i32>} : memref<128x64xi32, #tpu.memory_space<vmem>>, vector<16xi32>,
        %bitcast3A_729 = vector.bitcast %get3A_728 : vector<16xi32> to vector<32xbf16>
        %mul3A_730 = arith.mulf %pack3A, %bitcast3A_729 : vector<32xbf16>
        %unpack3A_731 = tpu.unpack_subelements %mul3A_730, 0 {pack_format = #tpu.pack_format<interleaved>} : vector<32xbf16> -> vector<16xf32>
        %unpack3A_732 = tpu.unpack_subelements %mul3A_730, 1 {pack_format = #tpu.pack_format<interleaved>} : vector<32xbf16> -> vector<16xf32>
        %add3A_733 = arith.addf %scan3A_702, %unpack3A_731 : vector<16xf32>
        %add3A_734 = arith.addf %scan3A_703, %unpack3A_732 : vector<16xf32>
        %get3A_735 = arith.index_cast %add3A_709 : i32 to index
        %get3A_736 = arith.constant 48 : index
        %get3A_737 = tpu.vector_load %arg13[%get3A_735, %get3A_736] {strides = array<i32>} : memref<128x64xi32, #tpu.memory_space<vmem>>, vector<16xi32>,
        %bitcast3A_738 = vector.bitcast %get3A_737 : vector<16xi32> to vector<32xbf16>
        %mul3A_739 = arith.mulf %pack3A, %bitcast3A_738 : vector<32xbf16>
        %unpack3A_740 = tpu.unpack_subelements %mul3A_739, 0 {pack_format = #tpu.pack_format<interleaved>} : vector<32xbf16> -> vector<16xf32>
        %unpack3A_741 = tpu.unpack_subelements %mul3A_739, 1 {pack_format = #tpu.pack_format<interleaved>} : vector<32xbf16> -> vector<16xf32>
        %add3A_742 = arith.addf %scan3A_704, %unpack3A_740 : vector<16xf32>
        %add3A_743 = arith.addf %scan3A_705, %unpack3A_741 : vector<16xf32>
        %scan3A_744 = arith.constant 1 : i32
        %scan3A_745 = arith.addi %scan3A_697, %scan3A_744 : i32
        %broadcast_in_dim3A_746 = vector.broadcast %scan3A_745 : i32 to vector<16xi32>
        %gather3A_747 = tpu.vector_load_idx %arg14[%broadcast_in_dim3A_746] : memref<64xf32, #tpu.memory_space<vmem>>[vector<16xi32>], vector<16xf32>,
        %pack3A_748 = tpu.pack_subelements %gather3A_747, %gather3A_747 {pack_format = #tpu.pack_format<interleaved>, positions = array<i32: 0, 1>} : vector<16xf32>, vector<16xf32> -> vector<32xbf16>
        %add3A_749 = arith.constant 0 : i32
        %add3A_750 = arith.addi %add3A_749, %scan3A_745 : i32
        %get3A_751 = arith.index_cast %add3A_750 : i32 to index
        %get3A_752 = arith.constant 0 : index
        %get3A_753 = tpu.vector_load %arg13[%get3A_751, %get3A_752] {strides = array<i32>} : memref<128x64xi32, #tpu.memory_space<vmem>>, vector<16xi32>,
        %bitcast3A_754 = vector.bitcast %get3A_753 : vector<16xi32> to vector<32xbf16>
        %mul3A_755 = arith.mulf %pack3A_748, %bitcast3A_754 : vector<32xbf16>
        %unpack3A_756 = tpu.unpack_subelements %mul3A_755, 0 {pack_format = #tpu.pack_format<interleaved>} : vector<32xbf16> -> vector<16xf32>
        %unpack3A_757 = tpu.unpack_subelements %mul3A_755, 1 {pack_format = #tpu.pack_format<interleaved>} : vector<32xbf16> -> vector<16xf32>
        %add3A_758 = arith.addf %add3A_715, %unpack3A_756 : vector<16xf32>
        %add3A_759 = arith.addf %add3A_716, %unpack3A_757 : vector<16xf32>
        %get3A_760 = arith.index_cast %add3A_750 : i32 to index
        %get3A_761 = arith.constant 16 : index
        %get3A_762 = tpu.vector_load %arg13[%get3A_760, %get3A_761] {strides = array<i32>} : memref<128x64xi32, #tpu.memory_space<vmem>>, vector<16xi32>,
        %bitcast3A_763 = vector.bitcast %get3A_762 : vector<16xi32> to vector<32xbf16>
        %mul3A_764 = arith.mulf %pack3A_748, %bitcast3A_763 : vector<32xbf16>
        %unpack3A_765 = tpu.unpack_subelements %mul3A_764, 0 {pack_format = #tpu.pack_format<interleaved>} : vector<32xbf16> -> vector<16xf32>
        %unpack3A_766 = tpu.unpack_subelements %mul3A_764, 1 {pack_format = #tpu.pack_format<interleaved>} : vector<32xbf16> -> vector<16xf32>
        %add3A_767 = arith.addf %add3A_724, %unpack3A_765 : vector<16xf32>
        %add3A_768 = arith.addf %add3A_725, %unpack3A_766 : vector<16xf32>
        %get3A_769 = arith.index_cast %add3A_750 : i32 to index
        %get3A_770 = arith.constant 32 : index
        %get3A_771 = tpu.vector_load %arg13[%get3A_769, %get3A_770] {strides = array<i32>} : memref<128x64xi32, #tpu.memory_space<vmem>>, vector<16xi32>,
        %bitcast3A_772 = vector.bitcast %get3A_771 : vector<16xi32> to vector<32xbf16>
        %mul3A_773 = arith.mulf %pack3A_748, %bitcast3A_772 : vector<32xbf16>
        %unpack3A_774 = tpu.unpack_subelements %mul3A_773, 0 {pack_format = #tpu.pack_format<interleaved>} : vector<32xbf16> -> vector<16xf32>
        %unpack3A_775 = tpu.unpack_subelements %mul3A_773, 1 {pack_format = #tpu.pack_format<interleaved>} : vector<32xbf16> -> vector<16xf32>
        %add3A_776 = arith.addf %add3A_733, %unpack3A_774 : vector<16xf32>
        %add3A_777 = arith.addf %add3A_734, %unpack3A_775 : vector<16xf32>
        %get3A_778 = arith.index_cast %add3A_750 : i32 to index
        %get3A_779 = arith.constant 48 : index
        %get3A_780 = tpu.vector_load %arg13[%get3A_778, %get3A_779] {strides = array<i32>} : memref<128x64xi32, #tpu.memory_space<vmem>>, vector<16xi32>,
        %bitcast3A_781 = vector.bitcast %get3A_780 : vector<16xi32> to vector<32xbf16>
        %mul3A_782 = arith.mulf %pack3A_748, %bitcast3A_781 : vector<32xbf16>
        %unpack3A_783 = tpu.unpack_subelements %mul3A_782, 0 {pack_format = #tpu.pack_format<interleaved>} : vector<32xbf16> -> vector<16xf32>
        %unpack3A_784 = tpu.unpack_subelements %mul3A_782, 1 {pack_format = #tpu.pack_format<interleaved>} : vector<32xbf16> -> vector<16xf32>
        %add3A_785 = arith.addf %add3A_742, %unpack3A_783 : vector<16xf32>
        %add3A_786 = arith.addf %add3A_743, %unpack3A_784 : vector<16xf32>
        scf.yield %add3A_758, %add3A_759, %add3A_767, %add3A_768, %add3A_776, %add3A_777, %add3A_785, %add3A_786 : vector<16xf32>, vector<16xf32>, vector<16xf32>, vector<16xf32>, vector<16xf32>, vector<16xf32>, vector<16xf32>, vector<16xf32>
      }
      %scan3A_496 = arith.constant 64 : i32
      %iota3A_497 = tpu.iota {dimensions = array<i32: 0>} : vector<16xi32>
      %mul3A_498 = arith.constant 2 : i32
      %mul3A_499 = vector.broadcast %mul3A_498 : i32 to vector<16xi32>
      %mul3A_500 = arith.muli %mul3A_499, %iota3A_497 : vector<16xi32>
      %mul3A_501 = arith.constant 128 : i32
      %mul3A_502 = arith.muli %add3A_388, %mul3A_501 : i32
      %add3A_503 = arith.constant 0 : i32
      %add3A_504 = arith.addi %mul3A_502, %add3A_503 : i32
      %add3A_505 = vector.broadcast %add3A_504 : i32 to vector<16xi32>
      %add3A_506 = arith.addi %add3A_505, %mul3A_500 : vector<16xi32>
      tpu.vector_store_idx %arg15[%add3A_506], %scan3A_495#0 : memref<16384xf32, #tpu.memory_space<vmem>>[vector<16xi32>], vector<16xf32>,
      %add3A_507 = arith.constant 1 : i32
      %add3A_508 = arith.addi %add3A_504, %add3A_507 : i32
      %add3A_509 = vector.broadcast %add3A_508 : i32 to vector<16xi32>
      %add3A_510 = arith.addi %add3A_509, %mul3A_500 : vector<16xi32>
      tpu.vector_store_idx %arg15[%add3A_510], %scan3A_495#1 : memref<16384xf32, #tpu.memory_space<vmem>>[vector<16xi32>], vector<16xf32>,
      %mul3A_511 = arith.constant 128 : i32
      %mul3A_512 = arith.muli %add3A_388, %mul3A_511 : i32
      %add3A_513 = arith.constant 32 : i32
      %add3A_514 = arith.addi %mul3A_512, %add3A_513 : i32
      %add3A_515 = vector.broadcast %add3A_514 : i32 to vector<16xi32>
      %add3A_516 = arith.addi %add3A_515, %mul3A_500 : vector<16xi32>
      tpu.vector_store_idx %arg15[%add3A_516], %scan3A_495#2 : memref<16384xf32, #tpu.memory_space<vmem>>[vector<16xi32>], vector<16xf32>,
      %add3A_517 = arith.constant 1 : i32
      %add3A_518 = arith.addi %add3A_514, %add3A_517 : i32
      %add3A_519 = vector.broadcast %add3A_518 : i32 to vector<16xi32>
      %add3A_520 = arith.addi %add3A_519, %mul3A_500 : vector<16xi32>
      tpu.vector_store_idx %arg15[%add3A_520], %scan3A_495#3 : memref<16384xf32, #tpu.memory_space<vmem>>[vector<16xi32>], vector<16xf32>,
      %mul3A_521 = arith.constant 128 : i32
      %mul3A_522 = arith.muli %add3A_388, %mul3A_521 : i32
      %add3A_523 = arith.constant 64 : i32
      %add3A_524 = arith.addi %mul3A_522, %add3A_523 : i32
      %add3A_525 = vector.broadcast %add3A_524 : i32 to vector<16xi32>
      %add3A_526 = arith.addi %add3A_525, %mul3A_500 : vector<16xi32>
      tpu.vector_store_idx %arg15[%add3A_526], %scan3A_495#4 : memref<16384xf32, #tpu.memory_space<vmem>>[vector<16xi32>], vector<16xf32>,
      %add3A_527 = arith.constant 1 : i32
      %add3A_528 = arith.addi %add3A_524, %add3A_527 : i32
      %add3A_529 = vector.broadcast %add3A_528 : i32 to vector<16xi32>
      %add3A_530 = arith.addi %add3A_529, %mul3A_500 : vector<16xi32>
      tpu.vector_store_idx %arg15[%add3A_530], %scan3A_495#5 : memref<16384xf32, #tpu.memory_space<vmem>>[vector<16xi32>], vector<16xf32>,
      %mul3A_531 = arith.constant 128 : i32
      %mul3A_532 = arith.muli %add3A_388, %mul3A_531 : i32
      %add3A_533 = arith.constant 96 : i32
      %add3A_534 = arith.addi %mul3A_532, %add3A_533 : i32
      %add3A_535 = vector.broadcast %add3A_534 : i32 to vector<16xi32>
      %add3A_536 = arith.addi %add3A_535, %mul3A_500 : vector<16xi32>
      tpu.vector_store_idx %arg15[%add3A_536], %scan3A_495#6 : memref<16384xf32, #tpu.memory_space<vmem>>[vector<16xi32>], vector<16xf32>,
      %add3A_537 = arith.constant 1 : i32
      %add3A_538 = arith.addi %add3A_534, %add3A_537 : i32
      %add3A_539 = vector.broadcast %add3A_538 : i32 to vector<16xi32>
      %add3A_540 = arith.addi %add3A_539, %mul3A_500 : vector<16xi32>
      tpu.vector_store_idx %arg15[%add3A_540], %scan3A_495#7 : memref<16384xf32, #tpu.memory_space<vmem>>[vector<16xi32>], vector<16xf32>,
      %mul3A_541 = arith.constant 2 : i32
      %mul3A_542 = arith.muli %add3A_366, %mul3A_541 : i32
      %add3A_543 = arith.constant 1 : i32
      %add3A_544 = arith.addi %mul3A_542, %add3A_543 : i32
      %mul3A_545 = arith.constant 64 : i32
      %mul3A_546 = arith.muli %add3A_544, %mul3A_545 : i32
      %add3A_547 = arith.constant 0 : i32
      %add3A_548 = arith.addi %mul3A_546, %add3A_547 : i32
      %get3A_549 = arith.index_cast %add3A_548 : i32 to index
      %get3A_550 = tpu.vector_load %arg9[%get3A_549] {strides = array<i32>} : memref<8192xi32, #tpu.memory_space<vmem>>, vector<16xi32>,
      %broadcast_in_dim3A_551 = vector.broadcast %add3A_544 : i32 to vector<16xi32>
      %gather3A_552 = tpu.vector_load_idx %arg11[%broadcast_in_dim3A_551, %get3A_550] : memref<128x128xf32, #tpu.memory_space<vmem>>[vector<16xi32>, vector<16xi32>], vector<16xf32>,
      %mul3A_553 = arith.constant 64 : i32
      %mul3A_554 = arith.muli %add3A_544, %mul3A_553 : i32
      %add3A_555 = arith.constant 16 : i32
      %add3A_556 = arith.addi %mul3A_554, %add3A_555 : i32
      %get3A_557 = arith.index_cast %add3A_556 : i32 to index
      %get3A_558 = tpu.vector_load %arg9[%get3A_557] {strides = array<i32>} : memref<8192xi32, #tpu.memory_space<vmem>>, vector<16xi32>,
      %broadcast_in_dim3A_559 = vector.broadcast %add3A_544 : i32 to vector<16xi32>
      %gather3A_560 = tpu.vector_load_idx %arg11[%broadcast_in_dim3A_559, %get3A_558] : memref<128x128xf32, #tpu.memory_space<vmem>>[vector<16xi32>, vector<16xi32>], vector<16xf32>,
      %mul3A_561 = arith.constant 64 : i32
      %mul3A_562 = arith.muli %add3A_544, %mul3A_561 : i32
      %add3A_563 = arith.constant 32 : i32
      %add3A_564 = arith.addi %mul3A_562, %add3A_563 : i32
      %get3A_565 = arith.index_cast %add3A_564 : i32 to index
      %get3A_566 = tpu.vector_load %arg9[%get3A_565] {strides = array<i32>} : memref<8192xi32, #tpu.memory_space<vmem>>, vector<16xi32>,
      %broadcast_in_dim3A_567 = vector.broadcast %add3A_544 : i32 to vector<16xi32>
      %gather3A_568 = tpu.vector_load_idx %arg11[%broadcast_in_dim3A_567, %get3A_566] : memref<128x128xf32, #tpu.memory_space<vmem>>[vector<16xi32>, vector<16xi32>], vector<16xf32>,
      %mul3A_569 = arith.constant 64 : i32
      %mul3A_570 = arith.muli %add3A_544, %mul3A_569 : i32
      %add3A_571 = arith.constant 48 : i32
      %add3A_572 = arith.addi %mul3A_570, %add3A_571 : i32
      %get3A_573 = arith.index_cast %add3A_572 : i32 to index
      %get3A_574 = tpu.vector_load %arg9[%get3A_573] {strides = array<i32>} : memref<8192xi32, #tpu.memory_space<vmem>>, vector<16xi32>,
      %broadcast_in_dim3A_575 = vector.broadcast %add3A_544 : i32 to vector<16xi32>
      %gather3A_576 = tpu.vector_load_idx %arg11[%broadcast_in_dim3A_575, %get3A_574] : memref<128x128xf32, #tpu.memory_space<vmem>>[vector<16xi32>, vector<16xi32>], vector<16xf32>,
      %max3A_577 = arith.maximumf %gather3A_552, %gather3A_560 : vector<16xf32>
      %max3A_578 = arith.maximumf %gather3A_568, %gather3A_576 : vector<16xf32>
      %max3A_579 = arith.maximumf %max3A_577, %max3A_578 : vector<16xf32>
      %reduce_max3A_580 = arith.constant true
      %reduce_max3A_581 = vector.broadcast %reduce_max3A_580 : i1 to vector<16xi1>
      %reduce_max3A_582 = tpu.scan <max>, %max3A_579 masked %reduce_max3A_581 : vector<16xf32>, vector<16xi1> -> vector<16xf32>
      %reduce_max3A_583 = vector.extract %reduce_max3A_582[15] : f32 from vector<16xf32>
      %sub3A_584 = vector.broadcast %reduce_max3A_583 : f32 to vector<16xf32>
      %sub3A_585 = arith.subf %gather3A_552, %sub3A_584 : vector<16xf32>
      %exp3A_586 = math.exp %sub3A_585 : vector<16xf32>
      %sub3A_587 = vector.broadcast %reduce_max3A_583 : f32 to vector<16xf32>
      %sub3A_588 = arith.subf %gather3A_560, %sub3A_587 : vector<16xf32>
      %exp3A_589 = math.exp %sub3A_588 : vector<16xf32>
      %sub3A_590 = vector.broadcast %reduce_max3A_583 : f32 to vector<16xf32>
      %sub3A_591 = arith.subf %gather3A_568, %sub3A_590 : vector<16xf32>
      %exp3A_592 = math.exp %sub3A_591 : vector<16xf32>
      %sub3A_593 = vector.broadcast %reduce_max3A_583 : f32 to vector<16xf32>
      %sub3A_594 = arith.subf %gather3A_576, %sub3A_593 : vector<16xf32>
      %exp3A_595 = math.exp %sub3A_594 : vector<16xf32>
      %reduce_sum3A_596 = arith.constant true
      %reduce_sum3A_597 = vector.broadcast %reduce_sum3A_596 : i1 to vector<16xi1>
      %reduce_sum3A_598 = tpu.scan <sum>, %exp3A_586 masked %reduce_sum3A_597 : vector<16xf32>, vector<16xi1> -> vector<16xf32>
      %reduce_sum3A_599 = vector.extract %reduce_sum3A_598[15] : f32 from vector<16xf32>
      %reduce_sum3A_600 = arith.constant true
      %reduce_sum3A_601 = vector.broadcast %reduce_sum3A_600 : i1 to vector<16xi1>
      %reduce_sum3A_602 = tpu.scan <sum>, %exp3A_589 masked %reduce_sum3A_601 : vector<16xf32>, vector<16xi1> -> vector<16xf32>
      %reduce_sum3A_603 = vector.extract %reduce_sum3A_602[15] : f32 from vector<16xf32>
      %add3A_604 = arith.addf %reduce_sum3A_599, %reduce_sum3A_603 : f32
      %reduce_sum3A_605 = arith.constant true
      %reduce_sum3A_606 = vector.broadcast %reduce_sum3A_605 : i1 to vector<16xi1>
      %reduce_sum3A_607 = tpu.scan <sum>, %exp3A_592 masked %reduce_sum3A_606 : vector<16xf32>, vector<16xi1> -> vector<16xf32>
      %reduce_sum3A_608 = vector.extract %reduce_sum3A_607[15] : f32 from vector<16xf32>
      %add3A_609 = arith.addf %add3A_604, %reduce_sum3A_608 : f32
      %reduce_sum3A_610 = arith.constant true
      %reduce_sum3A_611 = vector.broadcast %reduce_sum3A_610 : i1 to vector<16xi1>
      %reduce_sum3A_612 = tpu.scan <sum>, %exp3A_595 masked %reduce_sum3A_611 : vector<16xf32>, vector<16xi1> -> vector<16xf32>
      %reduce_sum3A_613 = vector.extract %reduce_sum3A_612[15] : f32 from vector<16xf32>
      %add3A_614 = arith.addf %add3A_609, %reduce_sum3A_613 : f32
      %broadcast_in_dim3A_615 = arith.constant 1.000000e+00 : f32
      %broadcast_in_dim3A_616 = vector.broadcast %broadcast_in_dim3A_615 : f32 to vector<16xf32>
      %broadcast_in_dim3A_617 = vector.broadcast %add3A_614 : f32 to vector<16xf32>
      %div3A_618 = arith.divf %broadcast_in_dim3A_616, %broadcast_in_dim3A_617 : vector<16xf32>
      %mul3A_619 = arith.mulf %exp3A_586, %div3A_618 : vector<16xf32>
      %swap3A_620 = arith.constant 0 : index
      %swap3A_621 = tpu.vector_load %arg14[%swap3A_620] {strides = array<i32>} : memref<64xf32, #tpu.memory_space<vmem>>, vector<16xf32>,
      tpu.vector_store %arg14[%swap3A_620], %mul3A_619 {strides = array<i32>} : memref<64xf32, #tpu.memory_space<vmem>>, vector<16xf32>,
      %mul3A_622 = arith.mulf %exp3A_589, %div3A_618 : vector<16xf32>
      %swap3A_623 = arith.constant 16 : index
      %swap3A_624 = tpu.vector_load %arg14[%swap3A_623] {strides = array<i32>} : memref<64xf32, #tpu.memory_space<vmem>>, vector<16xf32>,
      tpu.vector_store %arg14[%swap3A_623], %mul3A_622 {strides = array<i32>} : memref<64xf32, #tpu.memory_space<vmem>>, vector<16xf32>,
      %mul3A_625 = arith.mulf %exp3A_592, %div3A_618 : vector<16xf32>
      %swap3A_626 = arith.constant 32 : index
      %swap3A_627 = tpu.vector_load %arg14[%swap3A_626] {strides = array<i32>} : memref<64xf32, #tpu.memory_space<vmem>>, vector<16xf32>,
      tpu.vector_store %arg14[%swap3A_626], %mul3A_625 {strides = array<i32>} : memref<64xf32, #tpu.memory_space<vmem>>, vector<16xf32>,
      %mul3A_628 = arith.mulf %exp3A_595, %div3A_618 : vector<16xf32>
      %swap3A_629 = arith.constant 48 : index
      %swap3A_630 = tpu.vector_load %arg14[%swap3A_629] {strides = array<i32>} : memref<64xf32, #tpu.memory_space<vmem>>, vector<16xf32>,
      tpu.vector_store %arg14[%swap3A_629], %mul3A_628 {strides = array<i32>} : memref<64xf32, #tpu.memory_space<vmem>>, vector<16xf32>,
      %broadcast_in_dim3A_631 = arith.constant 0.000000e+00 : f32
      %broadcast_in_dim3A_632 = vector.broadcast %broadcast_in_dim3A_631 : f32 to vector<16xf32>
      %broadcast_in_dim3A_633 = arith.constant 0.000000e+00 : f32
      %broadcast_in_dim3A_634 = vector.broadcast %broadcast_in_dim3A_633 : f32 to vector<16xf32>
      %broadcast_in_dim3A_635 = arith.constant 0.000000e+00 : f32
      %broadcast_in_dim3A_636 = vector.broadcast %broadcast_in_dim3A_635 : f32 to vector<16xf32>
      %broadcast_in_dim3A_637 = arith.constant 0.000000e+00 : f32
      %broadcast_in_dim3A_638 = vector.broadcast %broadcast_in_dim3A_637 : f32 to vector<16xf32>
      %broadcast_in_dim3A_639 = arith.constant 0.000000e+00 : f32
      %broadcast_in_dim3A_640 = vector.broadcast %broadcast_in_dim3A_639 : f32 to vector<16xf32>
      %broadcast_in_dim3A_641 = arith.constant 0.000000e+00 : f32
      %broadcast_in_dim3A_642 = vector.broadcast %broadcast_in_dim3A_641 : f32 to vector<16xf32>
      %broadcast_in_dim3A_643 = arith.constant 0.000000e+00 : f32
      %broadcast_in_dim3A_644 = vector.broadcast %broadcast_in_dim3A_643 : f32 to vector<16xf32>
      %broadcast_in_dim3A_645 = arith.constant 0.000000e+00 : f32
      %broadcast_in_dim3A_646 = vector.broadcast %broadcast_in_dim3A_645 : f32 to vector<16xf32>
      %scan3A_647 = arith.constant 0 : i32
      %scan3A_648 = arith.constant 64 : i32
      %scan3A_649 = arith.addi %scan3A_647, %scan3A_648 : i32
      %scan3A_650 = arith.constant 2 : i32
      %scan3A_651:8 = scf.for %scan3A_697 = %scan3A_647 to %scan3A_649 step %scan3A_650 iter_args(%scan3A_698 = %broadcast_in_dim3A_632, %scan3A_699 = %broadcast_in_dim3A_634, %scan3A_700 = %broadcast_in_dim3A_636, %scan3A_701 = %broadcast_in_dim3A_638, %scan3A_702 = %broadcast_in_dim3A_640, %scan3A_703 = %broadcast_in_dim3A_642, %scan3A_704 = %broadcast_in_dim3A_644, %scan3A_705 = %broadcast_in_dim3A_646) -> (vector<16xf32>, vector<16xf32>, vector<16xf32>, vector<16xf32>, vector<16xf32>, vector<16xf32>, vector<16xf32>, vector<16xf32>)  : i32 {
        %broadcast_in_dim3A_706 = vector.broadcast %scan3A_697 : i32 to vector<16xi32>
        %gather3A_707 = tpu.vector_load_idx %arg14[%broadcast_in_dim3A_706] : memref<64xf32, #tpu.memory_space<vmem>>[vector<16xi32>], vector<16xf32>,
        %pack3A = tpu.pack_subelements %gather3A_707, %gather3A_707 {pack_format = #tpu.pack_format<interleaved>, positions = array<i32: 0, 1>} : vector<16xf32>, vector<16xf32> -> vector<32xbf16>
        %add3A_708 = arith.constant 64 : i32
        %add3A_709 = arith.addi %add3A_708, %scan3A_697 : i32
        %get3A_710 = arith.index_cast %add3A_709 : i32 to index
        %get3A_711 = arith.constant 0 : index
        %get3A_712 = tpu.vector_load %arg13[%get3A_710, %get3A_711] {strides = array<i32>} : memref<128x64xi32, #tpu.memory_space<vmem>>, vector<16xi32>,
        %bitcast3A = vector.bitcast %get3A_712 : vector<16xi32> to vector<32xbf16>
        %mul3A_713 = arith.mulf %pack3A, %bitcast3A : vector<32xbf16>
        %unpack3A = tpu.unpack_subelements %mul3A_713, 0 {pack_format = #tpu.pack_format<interleaved>} : vector<32xbf16> -> vector<16xf32>
        %unpack3A_714 = tpu.unpack_subelements %mul3A_713, 1 {pack_format = #tpu.pack_format<interleaved>} : vector<32xbf16> -> vector<16xf32>
        %add3A_715 = arith.addf %scan3A_698, %unpack3A : vector<16xf32>
        %add3A_716 = arith.addf %scan3A_699, %unpack3A_714 : vector<16xf32>
        %get3A_717 = arith.index_cast %add3A_709 : i32 to index
        %get3A_718 = arith.constant 16 : index
        %get3A_719 = tpu.vector_load %arg13[%get3A_717, %get3A_718] {strides = array<i32>} : memref<128x64xi32, #tpu.memory_space<vmem>>, vector<16xi32>,
        %bitcast3A_720 = vector.bitcast %get3A_719 : vector<16xi32> to vector<32xbf16>
        %mul3A_721 = arith.mulf %pack3A, %bitcast3A_720 : vector<32xbf16>
        %unpack3A_722 = tpu.unpack_subelements %mul3A_721, 0 {pack_format = #tpu.pack_format<interleaved>} : vector<32xbf16> -> vector<16xf32>
        %unpack3A_723 = tpu.unpack_subelements %mul3A_721, 1 {pack_format = #tpu.pack_format<interleaved>} : vector<32xbf16> -> vector<16xf32>
        %add3A_724 = arith.addf %scan3A_700, %unpack3A_722 : vector<16xf32>
        %add3A_725 = arith.addf %scan3A_701, %unpack3A_723 : vector<16xf32>
        %get3A_726 = arith.index_cast %add3A_709 : i32 to index
        %get3A_727 = arith.constant 32 : index
        %get3A_728 = tpu.vector_load %arg13[%get3A_726, %get3A_727] {strides = array<i32>} : memref<128x64xi32, #tpu.memory_space<vmem>>, vector<16xi32>,
        %bitcast3A_729 = vector.bitcast %get3A_728 : vector<16xi32> to vector<32xbf16>
        %mul3A_730 = arith.mulf %pack3A, %bitcast3A_729 : vector<32xbf16>
        %unpack3A_731 = tpu.unpack_subelements %mul3A_730, 0 {pack_format = #tpu.pack_format<interleaved>} : vector<32xbf16> -> vector<16xf32>
        %unpack3A_732 = tpu.unpack_subelements %mul3A_730, 1 {pack_format = #tpu.pack_format<interleaved>} : vector<32xbf16> -> vector<16xf32>
        %add3A_733 = arith.addf %scan3A_702, %unpack3A_731 : vector<16xf32>
        %add3A_734 = arith.addf %scan3A_703, %unpack3A_732 : vector<16xf32>
        %get3A_735 = arith.index_cast %add3A_709 : i32 to index
        %get3A_736 = arith.constant 48 : index
        %get3A_737 = tpu.vector_load %arg13[%get3A_735, %get3A_736] {strides = array<i32>} : memref<128x64xi32, #tpu.memory_space<vmem>>, vector<16xi32>,
        %bitcast3A_738 = vector.bitcast %get3A_737 : vector<16xi32> to vector<32xbf16>
        %mul3A_739 = arith.mulf %pack3A, %bitcast3A_738 : vector<32xbf16>
        %unpack3A_740 = tpu.unpack_subelements %mul3A_739, 0 {pack_format = #tpu.pack_format<interleaved>} : vector<32xbf16> -> vector<16xf32>
        %unpack3A_741 = tpu.unpack_subelements %mul3A_739, 1 {pack_format = #tpu.pack_format<interleaved>} : vector<32xbf16> -> vector<16xf32>
        %add3A_742 = arith.addf %scan3A_704, %unpack3A_740 : vector<16xf32>
        %add3A_743 = arith.addf %scan3A_705, %unpack3A_741 : vector<16xf32>
        %scan3A_744 = arith.constant 1 : i32
        %scan3A_745 = arith.addi %scan3A_697, %scan3A_744 : i32
        %broadcast_in_dim3A_746 = vector.broadcast %scan3A_745 : i32 to vector<16xi32>
        %gather3A_747 = tpu.vector_load_idx %arg14[%broadcast_in_dim3A_746] : memref<64xf32, #tpu.memory_space<vmem>>[vector<16xi32>], vector<16xf32>,
        %pack3A_748 = tpu.pack_subelements %gather3A_747, %gather3A_747 {pack_format = #tpu.pack_format<interleaved>, positions = array<i32: 0, 1>} : vector<16xf32>, vector<16xf32> -> vector<32xbf16>
        %add3A_749 = arith.constant 64 : i32
        %add3A_750 = arith.addi %add3A_749, %scan3A_745 : i32
        %get3A_751 = arith.index_cast %add3A_750 : i32 to index
        %get3A_752 = arith.constant 0 : index
        %get3A_753 = tpu.vector_load %arg13[%get3A_751, %get3A_752] {strides = array<i32>} : memref<128x64xi32, #tpu.memory_space<vmem>>, vector<16xi32>,
        %bitcast3A_754 = vector.bitcast %get3A_753 : vector<16xi32> to vector<32xbf16>
        %mul3A_755 = arith.mulf %pack3A_748, %bitcast3A_754 : vector<32xbf16>
        %unpack3A_756 = tpu.unpack_subelements %mul3A_755, 0 {pack_format = #tpu.pack_format<interleaved>} : vector<32xbf16> -> vector<16xf32>
        %unpack3A_757 = tpu.unpack_subelements %mul3A_755, 1 {pack_format = #tpu.pack_format<interleaved>} : vector<32xbf16> -> vector<16xf32>
        %add3A_758 = arith.addf %add3A_715, %unpack3A_756 : vector<16xf32>
        %add3A_759 = arith.addf %add3A_716, %unpack3A_757 : vector<16xf32>
        %get3A_760 = arith.index_cast %add3A_750 : i32 to index
        %get3A_761 = arith.constant 16 : index
        %get3A_762 = tpu.vector_load %arg13[%get3A_760, %get3A_761] {strides = array<i32>} : memref<128x64xi32, #tpu.memory_space<vmem>>, vector<16xi32>,
        %bitcast3A_763 = vector.bitcast %get3A_762 : vector<16xi32> to vector<32xbf16>
        %mul3A_764 = arith.mulf %pack3A_748, %bitcast3A_763 : vector<32xbf16>
        %unpack3A_765 = tpu.unpack_subelements %mul3A_764, 0 {pack_format = #tpu.pack_format<interleaved>} : vector<32xbf16> -> vector<16xf32>
        %unpack3A_766 = tpu.unpack_subelements %mul3A_764, 1 {pack_format = #tpu.pack_format<interleaved>} : vector<32xbf16> -> vector<16xf32>
        %add3A_767 = arith.addf %add3A_724, %unpack3A_765 : vector<16xf32>
        %add3A_768 = arith.addf %add3A_725, %unpack3A_766 : vector<16xf32>
        %get3A_769 = arith.index_cast %add3A_750 : i32 to index
        %get3A_770 = arith.constant 32 : index
        %get3A_771 = tpu.vector_load %arg13[%get3A_769, %get3A_770] {strides = array<i32>} : memref<128x64xi32, #tpu.memory_space<vmem>>, vector<16xi32>,
        %bitcast3A_772 = vector.bitcast %get3A_771 : vector<16xi32> to vector<32xbf16>
        %mul3A_773 = arith.mulf %pack3A_748, %bitcast3A_772 : vector<32xbf16>
        %unpack3A_774 = tpu.unpack_subelements %mul3A_773, 0 {pack_format = #tpu.pack_format<interleaved>} : vector<32xbf16> -> vector<16xf32>
        %unpack3A_775 = tpu.unpack_subelements %mul3A_773, 1 {pack_format = #tpu.pack_format<interleaved>} : vector<32xbf16> -> vector<16xf32>
        %add3A_776 = arith.addf %add3A_733, %unpack3A_774 : vector<16xf32>
        %add3A_777 = arith.addf %add3A_734, %unpack3A_775 : vector<16xf32>
        %get3A_778 = arith.index_cast %add3A_750 : i32 to index
        %get3A_779 = arith.constant 48 : index
        %get3A_780 = tpu.vector_load %arg13[%get3A_778, %get3A_779] {strides = array<i32>} : memref<128x64xi32, #tpu.memory_space<vmem>>, vector<16xi32>,
        %bitcast3A_781 = vector.bitcast %get3A_780 : vector<16xi32> to vector<32xbf16>
        %mul3A_782 = arith.mulf %pack3A_748, %bitcast3A_781 : vector<32xbf16>
        %unpack3A_783 = tpu.unpack_subelements %mul3A_782, 0 {pack_format = #tpu.pack_format<interleaved>} : vector<32xbf16> -> vector<16xf32>
        %unpack3A_784 = tpu.unpack_subelements %mul3A_782, 1 {pack_format = #tpu.pack_format<interleaved>} : vector<32xbf16> -> vector<16xf32>
        %add3A_785 = arith.addf %add3A_742, %unpack3A_783 : vector<16xf32>
        %add3A_786 = arith.addf %add3A_743, %unpack3A_784 : vector<16xf32>
        scf.yield %add3A_758, %add3A_759, %add3A_767, %add3A_768, %add3A_776, %add3A_777, %add3A_785, %add3A_786 : vector<16xf32>, vector<16xf32>, vector<16xf32>, vector<16xf32>, vector<16xf32>, vector<16xf32>, vector<16xf32>, vector<16xf32>
      }
      %scan3A_652 = arith.constant 64 : i32
      %iota3A_653 = tpu.iota {dimensions = array<i32: 0>} : vector<16xi32>
      %mul3A_654 = arith.constant 2 : i32
      %mul3A_655 = vector.broadcast %mul3A_654 : i32 to vector<16xi32>
      %mul3A_656 = arith.muli %mul3A_655, %iota3A_653 : vector<16xi32>
      %mul3A_657 = arith.constant 128 : i32
      %mul3A_658 = arith.muli %add3A_544, %mul3A_657 : i32
      %add3A_659 = arith.constant 0 : i32
      %add3A_660 = arith.addi %mul3A_658, %add3A_659 : i32
      %add3A_661 = vector.broadcast %add3A_660 : i32 to vector<16xi32>
      %add3A_662 = arith.addi %add3A_661, %mul3A_656 : vector<16xi32>
      tpu.vector_store_idx %arg15[%add3A_662], %scan3A_651#0 : memref<16384xf32, #tpu.memory_space<vmem>>[vector<16xi32>], vector<16xf32>,
      %add3A_663 = arith.constant 1 : i32
      %add3A_664 = arith.addi %add3A_660, %add3A_663 : i32
      %add3A_665 = vector.broadcast %add3A_664 : i32 to vector<16xi32>
      %add3A_666 = arith.addi %add3A_665, %mul3A_656 : vector<16xi32>
      tpu.vector_store_idx %arg15[%add3A_666], %scan3A_651#1 : memref<16384xf32, #tpu.memory_space<vmem>>[vector<16xi32>], vector<16xf32>,
      %mul3A_667 = arith.constant 128 : i32
      %mul3A_668 = arith.muli %add3A_544, %mul3A_667 : i32
      %add3A_669 = arith.constant 32 : i32
      %add3A_670 = arith.addi %mul3A_668, %add3A_669 : i32
      %add3A_671 = vector.broadcast %add3A_670 : i32 to vector<16xi32>
      %add3A_672 = arith.addi %add3A_671, %mul3A_656 : vector<16xi32>
      tpu.vector_store_idx %arg15[%add3A_672], %scan3A_651#2 : memref<16384xf32, #tpu.memory_space<vmem>>[vector<16xi32>], vector<16xf32>,
      %add3A_673 = arith.constant 1 : i32
      %add3A_674 = arith.addi %add3A_670, %add3A_673 : i32
      %add3A_675 = vector.broadcast %add3A_674 : i32 to vector<16xi32>
      %add3A_676 = arith.addi %add3A_675, %mul3A_656 : vector<16xi32>
      tpu.vector_store_idx %arg15[%add3A_676], %scan3A_651#3 : memref<16384xf32, #tpu.memory_space<vmem>>[vector<16xi32>], vector<16xf32>,
      %mul3A_677 = arith.constant 128 : i32
      %mul3A_678 = arith.muli %add3A_544, %mul3A_677 : i32
      %add3A_679 = arith.constant 64 : i32
      %add3A_680 = arith.addi %mul3A_678, %add3A_679 : i32
      %add3A_681 = vector.broadcast %add3A_680 : i32 to vector<16xi32>
      %add3A_682 = arith.addi %add3A_681, %mul3A_656 : vector<16xi32>
      tpu.vector_store_idx %arg15[%add3A_682], %scan3A_651#4 : memref<16384xf32, #tpu.memory_space<vmem>>[vector<16xi32>], vector<16xf32>,
      %add3A_683 = arith.constant 1 : i32
      %add3A_684 = arith.addi %add3A_680, %add3A_683 : i32
      %add3A_685 = vector.broadcast %add3A_684 : i32 to vector<16xi32>
      %add3A_686 = arith.addi %add3A_685, %mul3A_656 : vector<16xi32>
      tpu.vector_store_idx %arg15[%add3A_686], %scan3A_651#5 : memref<16384xf32, #tpu.memory_space<vmem>>[vector<16xi32>], vector<16xf32>,
      %mul3A_687 = arith.constant 128 : i32
      %mul3A_688 = arith.muli %add3A_544, %mul3A_687 : i32
      %add3A_689 = arith.constant 96 : i32
      %add3A_690 = arith.addi %mul3A_688, %add3A_689 : i32
      %add3A_691 = vector.broadcast %add3A_690 : i32 to vector<16xi32>
      %add3A_692 = arith.addi %add3A_691, %mul3A_656 : vector<16xi32>
      tpu.vector_store_idx %arg15[%add3A_692], %scan3A_651#6 : memref<16384xf32, #tpu.memory_space<vmem>>[vector<16xi32>], vector<16xf32>,
      %add3A_693 = arith.constant 1 : i32
      %add3A_694 = arith.addi %add3A_690, %add3A_693 : i32
      %add3A_695 = vector.broadcast %add3A_694 : i32 to vector<16xi32>
      %add3A_696 = arith.addi %add3A_695, %mul3A_656 : vector<16xi32>
      tpu.vector_store_idx %arg15[%add3A_696], %scan3A_651#7 : memref<16384xf32, #tpu.memory_space<vmem>>[vector<16xi32>], vector<16xf32>,
    }
    %scan3A_28 = arith.constant 32 : i32
    %dma_wait3A_29 = arith.constant 63 : i32
    %dma_wait3A_30 = arith.constant 0 : i32
    %dma_wait3A_31 = tpu.memref_slice %arg10[%dma_wait3A_29, %dma_wait3A_30] : memref<64x128xi32, #tpu.memory_space<vmem>> -> memref<1x128xi32, #tpu.memory_space<vmem>>
    %dma_wait3A_32 = tpu.memref_squeeze %dma_wait3A_31 : memref<1x128xi32, #tpu.memory_space<vmem>> -> memref<128xi32, #tpu.memory_space<vmem>>
    %dma_wait3A_33 = arith.constant 0 : i32
    %dma_wait3A_34 = arith.constant 0 : i32
    %dma_wait3A_35 = tpu.memref_slice %arg16[%dma_wait3A_33, %dma_wait3A_34] : memref<9472x64xi32, #tpu.memory_space<vmem_shared>> -> memref<9472x64xi32, #tpu.memory_space<vmem_shared>>
    tpu.wait_indirect_dma semaphore(%arg17 : memref<!tpu.dma_semaphore, #tpu.memory_space<semaphore_mem>>) src(%dma_wait3A_35 : memref<9472x64xi32, #tpu.memory_space<vmem_shared>>) dst(%arg12 : memref<128x64xi32, #tpu.memory_space<vmem>>)
    %mul3A_36 = arith.constant 128 : i32
    %mul3A_37 = arith.muli %add3A, %mul3A_36 : i32
    %mul3A_38 = arith.constant 128 : i32
    %mul3A_39 = arith.muli %mul3A_37, %mul3A_38 : i32
    "tpu.region"() ({
      %run_scoped3A = tpu.sem_alloc : memref<!tpu.dma_semaphore, #tpu.memory_space<semaphore_mem>>
      %dma_start3A_40 = tpu.memref_slice %arg7[%mul3A_39] : memref<524288xf32, #tpu.memory_space<hbm>> -> memref<16384xf32, #tpu.memory_space<hbm>>
      %dma_start3A_41 = tpu.memref_slice %arg7[%mul3A_39] : memref<524288xf32, #tpu.memory_space<hbm>> -> memref<16384xf32, #tpu.memory_space<hbm>>
      tpu.enqueue_dma source(%arg15 : memref<16384xf32, #tpu.memory_space<vmem>>) target(%dma_start3A_41 : memref<16384xf32, #tpu.memory_space<hbm>>) target_semaphore(%run_scoped3A : memref<!tpu.dma_semaphore, #tpu.memory_space<semaphore_mem>>)
      %dma_wait3A_42 = tpu.memref_slice %arg7[%mul3A_39] : memref<524288xf32, #tpu.memory_space<hbm>> -> memref<16384xf32, #tpu.memory_space<hbm>>
      %dma_wait3A_43 = tpu.memref_slice %arg7[%mul3A_39] : memref<524288xf32, #tpu.memory_space<hbm>> -> memref<16384xf32, #tpu.memory_space<hbm>>
      tpu.wait_dma2 semaphore(%run_scoped3A : memref<!tpu.dma_semaphore, #tpu.memory_space<semaphore_mem>>) src(%arg15 : memref<16384xf32, #tpu.memory_space<vmem>>) dst(%dma_wait3A_43 : memref<16384xf32, #tpu.memory_space<hbm>>)
      tpu.yield
    }) : () -> ()
    return
  }
}

module attributes {stable_mosaic.version = 14 : i64} {
  func.func @mm(%arg0: memref<1872x128xf32, #tpu.memory_space<vmem>>, %arg1: memref<128x128xf32, #tpu.memory_space<vmem>>, %arg2: memref<1872x128xf32, #tpu.memory_space<vmem>>) attributes {dimension_semantics = [], scalar_prefetch = 0 : i64, scratch_operands = 0 : i64, tpu.core_type = #tpu.core_type<tc>} {
    %get3A = arith.constant 0 : index
    %get3A_0 = arith.constant 0 : index
    %get3A_1 = vector.load %arg0[%get3A, %get3A_0] : memref<1872x128xf32, #tpu.memory_space<vmem>>, vector<1872x128xf32>
    %get3A_2 = arith.constant 0 : index
    %get3A_3 = arith.constant 0 : index
    %get3A_4 = vector.load %arg1[%get3A_2, %get3A_3] : memref<128x128xf32, #tpu.memory_space<vmem>>, vector<128x128xf32>
    %dot_general3A = arith.constant dense<0.000000e+00> : vector<1872x128xf32>
    %dot_general3A_5 = tpu.matmul %get3A_1, %get3A_4, %dot_general3A {dimension_numbers = #tpu.dot_dimension_numbers<[1], [1], [0], [0], [0, 0, 1, 0], [], []>, precision = #tpu.contract_precision<fp32>, transpose_lhs_hint = false} : vector<1872x128xf32>, vector<128x128xf32>, vector<1872x128xf32> -> vector<1872x128xf32>
    %swap3A = arith.constant 0 : index
    %swap3A_6 = arith.constant 0 : index
    %swap3A_7 = vector.load %arg2[%swap3A, %swap3A_6] : memref<1872x128xf32, #tpu.memory_space<vmem>>, vector<1872x128xf32>
    tpu.vector_store %arg2[%swap3A, %swap3A_6], %dot_general3A_5 {strides = array<i32>} : memref<1872x128xf32, #tpu.memory_space<vmem>>, vector<1872x128xf32>,
    return
  }
}

</mosaic_0001>

<sc_bundles>
// kernel: kernel.4.cloned.1.call-start
scs
__scs_entry_jumppad:
0x0: {  	(pc) =	sbr.rel $0x88, $3  }
0x1: {  	(tag) =	ssettag $0x0;
	lr =	simm.s32 $0x1  }
0x2: {  	[smem:$0x3F9B] =	sst lr;
	_ =	strace $0xD0000000  }
0x3: {  	_ = 	snop  }
0x4: {  	_ = 	snop  }
0x5: {  	_ = 	snop  }
0x6: {  	_ = 	snop  }
0x7: {  	_ = 	snop  }
__scs_overlays_trampoline_lowered:
0x8: {  	[smem:$0x3FAA] =	sst s0  }
0x9: {  	[smem:$0x3FAB] =	sst s1  }
0xa: {  	[smem:$0x3FAC] =	sst s2  }
0xb: {  	[smem:$0x3FAD] =	sst s3  }
0xc: {  	[smem:$0x3FAE] =	sst s4  }
0xd: {  	[smem:$0x3FAF] =	sst s5  }
0xe: {  	[smem:$0x3FB0] =	sst s6  }
0xf: {  	[smem:$0x3FB1] =	sst s7  }
0x10: {  	[smem:$0x3FB2] =	sst s8  }
0x11: {  	[smem:$0x3FB3] =	sst s9;
	s0 =	simm.s32 @!p0 $0x0  }
0x12: {  	s1 =	sld [smem:$0x3F99];
	s0 =	simm.s32 @p0 $0x1  }
0x13: {  	[smem:$0x3FB4] =	sst s0;
	s0 =	simm.s32 @!p1 $0x0  }
0x14: {  	s2 =	sld [smem:$0x3F98];
	s0 =	simm.s32 @p1 $0x1  }
0x15: {  	[smem:$0x3FB5] =	sst s0;
	s0 =	simm.s32 @!p2 $0x0  }
0x16: {  	s3 =	sld [smem:$0x3FDB];
	s0 =	simm.s32 @p2 $0x1  }
0x17: {  	s4 =	simm.s32 $0x1BF5;
	[smem:$0x3FB7] =	sst s0  }
0x18: {  	s0 =	sld [smem:$0x3F9A];
	_ =	swait.ge [sflag:s4], $0x0  }
0x19: {  	s7 =	sld [smem:$0x3F9B]  }
0x1a: {  	s8 =	sadd.s32 $0xFFFFE003, lr  }
0x1b: {  	s9 =	sadd.s32 $0xFFFFFEF7, lr;
	s5 =	simm.s32 $0xFFFFFFFF;
	p2 =	slt.u32 s8, $0xFFFFF086  }
0x1c: {  	p1 =	slt.u32 s9, $0xF7A;
	s5 =	simm.s32 @!p2 $0x0  }
0x1d: {  	s5 =	simm.s32 @p1 $0x1;
	p0 =	seq.s32 s7, s2  }
0x1e: {  	s7 =	smul.u32 @!p0 $0xF7A, s2;
	p2 =	seq.s32 @!p0 s5, $0x0  }
0x1f: {  	s9 =	smul.u32 $0xF7A, s1;
	s8 =	simm.s32 @!p0 $0x1BF5;
	p2 =	por !p2, p0  }
0x20: {  	[sflag:s8] =	ssyncset.s32 @!p0 $0xFFFFF086;
	s6 =	sadd.s32 @!p0 s3, s7;
	s7 =	simm.s32 @!p0 $0x108  }
0x21: {  	s3 =	sadd.s32 s3, s9;
	s6 =	sadd.s32 @!p0 $0x88, s6;
	s7 =	simm.s32 @p2 $0x1082  }
0x22: {  	[simem:s7], [sflag:s8] =	dma.local @!p0 [hbm:s6], $0xF7A  }
0x23: {  	s9 =	sor.u32 $0xD0000000, s2;
	s6 =	simm.s32 $0x108;
	_ =	swait.ge @!p0 [sflag:s8], $0x0  }
0x24: {  	s3 =	sadd.s32 $0x88, s3;
	s6 =	simm.s32 @!p1 $0x1082;
	[sflag:s4] =	ssyncset.s32 $0xFFFFF086  }
0x25: {  	[simem:s6], [sflag:s4] =	dma.local [hbm:s3], $0xF7A  }
0x26: {  	[smem:$0x3F9B] =	sst s1;
	(tag) =	ssettag s2;
	_ =	strace s9  }
0x27: {  	s1 =	sld [smem:$0x3FAB]  }
0x28: {  	s2 =	sld [smem:$0x3FAC]  }
0x29: {  	s4 =	sld [smem:$0x3FAE]  }
0x2a: {  	p0 =	seq.s32 s5, $0x0;
	s5 =	sld [smem:$0x3FAF]  }
0x2b: {  	s6 =	sld [smem:$0x3FB0]  }
0x2c: {  	s7 =	sld [smem:$0x3FB1]  }
0x2d: {  	s3 =	simm.s32 $0x108;
	s8 =	sld [smem:$0x3FB2]  }
0x2e: {  	s3 =	simm.s32 @!p0 $0x1082;
	s9 =	sld [smem:$0x3FB3]  }
0x2f: {  	lr =	sadd.s32 s0, s3;
	s0 =	sld [smem:$0x3FAA]  }
0x30: {  	s3 =	sld [smem:$0x3FAD]  }
0x31: {  	[smem:$0x3FB6] =	sst s10  }
0x32: {  	s10 =	sld [smem:$0x3FB4];
	_ =	sdelay $0x3  }
0x33: {  	p0 =	seq.s32 s10, $0x1;
	s10 =	sld [smem:$0x3FB6];
	_ =	sdelay $0x3  }
0x34: {  	[smem:$0x3FB6] =	sst s10  }
0x35: {  	s10 =	sld [smem:$0x3FB5];
	_ =	sdelay $0x3  }
0x36: {  	p1 =	seq.s32 s10, $0x1;
	s10 =	sld [smem:$0x3FB6];
	_ =	sdelay $0x3  }
0x37: {  	[smem:$0x3FB6] =	sst s10  }
0x38: {  	s10 =	sld [smem:$0x3FB7]  }
0x39: {  	_ = 	snop;
	(pc) =	sbr.ind lr, $3  }
0x3a: {  	_ = 	snop  }
0x3b: {  	_ = 	snop  }
0x3c: {  	p2 =	seq.s32 s10, $0x1;
	s10 =	sld [smem:$0x3FB6]  }
0x3d: {  	_ =	shalt  }
0x3e: {  	_ =	shalt  }
0x3f: {  	_ =	shalt  }
0x40: {  	_ =	shalt  }
0x41: {  	_ =	shalt  }
0x42: {  	_ =	shalt  }
0x43: {  	_ =	shalt  }
0x44: {  	_ =	shalt  }
0x45: {  	_ =	shalt  }
0x46: {  	_ =	shalt  }
0x47: {  	_ =	shalt  }
0x48: {  	_ =	shalt  }
0x49: {  	_ =	shalt  }
0x4a: {  	_ =	shalt  }
0x4b: {  	_ =	shalt  }
0x4c: {  	_ =	shalt  }
0x4d: {  	_ =	shalt  }
0x4e: {  	_ =	shalt  }
0x4f: {  	_ =	shalt  }
0x50: {  	_ =	shalt  }
0x51: {  	_ =	shalt  }
0x52: {  	_ =	shalt  }
0x53: {  	_ =	shalt  }
0x54: {  	_ =	shalt  }
0x55: {  	_ =	shalt  }
0x56: {  	_ =	shalt  }
0x57: {  	_ =	shalt  }
0x58: {  	_ =	shalt  }
0x59: {  	_ =	shalt  }
0x5a: {  	_ =	shalt  }
0x5b: {  	_ =	shalt  }
0x5c: {  	_ =	shalt  }
0x5d: {  	_ =	shalt  }
0x5e: {  	_ =	shalt  }
0x5f: {  	_ =	shalt  }
0x60: {  	_ =	shalt  }
0x61: {  	_ =	shalt  }
0x62: {  	_ =	shalt  }
0x63: {  	_ =	shalt  }
0x64: {  	_ =	shalt  }
0x65: {  	_ =	shalt  }
0x66: {  	_ =	shalt  }
0x67: {  	_ =	shalt  }
0x68: {  	_ =	shalt  }
0x69: {  	_ =	shalt  }
0x6a: {  	_ =	shalt  }
0x6b: {  	_ =	shalt  }
0x6c: {  	_ =	shalt  }
0x6d: {  	_ =	shalt  }
0x6e: {  	_ =	shalt  }
0x6f: {  	_ =	shalt  }
0x70: {  	_ =	shalt  }
0x71: {  	_ =	shalt  }
0x72: {  	_ =	shalt  }
0x73: {  	_ =	shalt  }
0x74: {  	_ =	shalt  }
0x75: {  	_ =	shalt  }
0x76: {  	_ =	shalt  }
0x77: {  	_ =	shalt  }
0x78: {  	_ =	shalt  }
0x79: {  	_ =	shalt  }
0x7a: {  	_ =	shalt  }
0x7b: {  	_ =	shalt  }
0x7c: {  	_ =	shalt  }
0x7d: {  	_ =	shalt  }
0x7e: {  	_ =	shalt  }
0x7f: {  	_ =	shalt  }
0x80: {  	_ =	shalt  }
0x81: {  	_ =	shalt  }
0x82: {  	_ =	shalt  }
0x83: {  	_ =	shalt  }
0x84: {  	_ =	shalt  }
0x85: {  	_ =	shalt  }
0x86: {  	_ =	shalt  }
0x87: {  	_ =	shalt  }
.Lfunc_end0:
.L_simem_size_0:
called_computation_lowered:
.L_overlay_start_0:
0x88: {  	s2 =	sld [smem:$0x3FD9]  }
0x89: {  	s3 =	sld [smem:$0x3FFE];
	_ =	sdelay $0x1  }
0x8a: {  	s1 =	srdreg.scid  }
0x8b: {  	s0 =	sand.u32 $0x1, s1  }
0x8c: {  	s17 =	sshll.u32 s0, $0xA;
	s2 =	sadd.s32 s3, s2  }
0x8d: {  	s2 =	sadd.s32 s2, s17  }
0x8e: {  	[smem:$0x3FC2] =	sst s2  }
0x8f: {  	_ = 	snop  }
0x90: {  	s2 =	sld [smem:$0x3FC9]  }
0x91: {  	s18 =	sld [smem:$0x3FD0];
	(tm) =	ssettm $0x1  }
0x92: {  	s4 =	sld [smem:$0x3FFB];
	_ =	sdelay $0x3  }
0x93: {  	_ =	strace s4  }
0x94: {  	s4 =	sld [smem:$0x3FFC];
	_ =	sdelay $0x3  }
0x95: {  	_ =	strace s4  }
0x96: {  	s4 =	sld [smem:$0x3FFD];
	_ =	sdelay $0x3  }
0x97: {  	_ =	strace s4  }
0x98: {  	_ =	strace $0x8FFFFFFF  }
0x99: {  	s19 =	sld [smem:$0x3FDB];
	_ =	sdelay $0x1  }
0x9a: {  	s5 =	simm.s32 $_scs_section_size  }
0x9b: {  	s6 =	simm.s32 $_size__tile_overlayer_lowered;
	s7 =	simm.s32 $_tile_overlayer_lowered  }
0x9c: {  	s22 =	simm.s32 $0x1BFF;
	s21 =	sshll.u32 s7, $0x1;
	s4 =	sadd.s32 s5, s19  }
0x9d: {  	s8 =	simm.s32 $0x0;
	s20 =	sshll.u32 s6, $0x1;
	s6 =	sadd.s32 s21, s4  }
0x9e: {  	[timem:s8], [sflag:s22] =	dma.local [hbm:s6], s20  }
0x9f: {  	_ =	swait.ge [sflag:s22], s20  }
0xa0: {  	s5 =	ssub.s32 $0x0, s20;
	[sflag:s22] =	ssyncset.done $0x0  }
0xa1: {  	[sflag:s22] =	ssyncadd.s32 s5;
	_ =	sdelay $0x1  }
0xa2: {  	s23 =	simm.s32 $0x1B8B  }
0xa3: {  	_ =	swait.ge [sflag:s23], $0x1  }
0xa4: {  	[sflag:s23] =	ssyncset.done $0x0  }
0xa5: {  	s25 =	simm.s32 $0x1B8E;
	s24 =	sld [smem:$0x3FFE];
	[sflag:s23] =	ssyncadd.s32 $0xFFFFFFFF  }
0xa6: {  	s26 =	simm.s32 $execute0_lowered;
	[smem:$0x3FD2] =	sst s25  }
0xa7: {  	s6 =	sshll.u32 s26, $0x1;
	_ =	strace $0x80000046;
	[dreg:$0x1] =	wrdreg $0xFFFFFFFF  }
0xa8: {  	s28 =	simm.s32 $_size_execute0_lowered;
	s4 =	sadd.s32 s4, s6;
	[dreg:$0x0] =	wrdreg $0x0  }
0xa9: {  	s6 =	sshll.u32 s28, $0x1;
	[dreg:$0x2] =	wrdreg s4  }
0xaa: {  	[dreg:$0x3] =	wrdreg s6  }
0xab: {  	[dreg:$0x4] =	wrdreg $0xC0  }
0xac: {  	_ =	task [dreg:s8], $0x5FFFF  }
0xad: {  	[dreg:$0x1] =	wrdreg $0xFFFFFFFF  }
0xae: {  	[dreg:$0x0] =	wrdreg $0x60  }
0xaf: {  	[dreg:$0x2] =	wrdreg s24  }
0xb0: {  	[dreg:$0x3] =	wrdreg s2  }
0xb1: {  	[dreg:$0x4] =	wrdreg s18  }
0xb2: {  	[dreg:$0x5] =	wrdreg $0x100C00  }
0xb3: {  	[dreg:$0x6] =	wrdreg $0x9  }
0xb4: {  	_ =	task.clear_ibuf [dreg:s8], $0x7FFFF;
	_ =	strace $0x90000046  }
0xb5: {  	s29 =	simm.s32 $0x9;
	_ =	strace $0x80000048  }
0xb6: {  	_ =	swait.ge [sflag:s29], $0x1  }
0xb7: {  	[sflag:s29] =	ssyncadd.s32 $0xFFFFFFFF  }
0xb8: {  	_ =	strace $0x90000048  }
0xb9: {  	_ =	sfence  }
0xba: {  	s30 =	sld [smem:$0x0];
	_ =	sdelay $0x2  }
0xbb: {  	s31 =	sshll.u32 s1, $0xD;
	s1 =	sshrl.u32 s1, $0x2  }
0xbc: {  	s3 =	sand.u32 $0x4000, s31;
	s1 =	sadd.s32 s1, s30  }
0xbd: {  	s0 =	sor.u32 s3, s0;
	s1 =	sshll.u32 s1, $0x11  }
0xbe: {  	s0 =	sor.u32 s1, s0  }
0xbf: {  	s0 =	sadd.s32 $0x8F2B, s0  }
0xc0: {  	[sflag:s0] =	ssyncadd.remote.s32 $0x1  }
0xc1: {  	_ =	sfence.sel $0xFFFF  }
0xc2: {  	[dreg:$0x0] =	wrdreg $0xFFFFFFFF;
	(pc) =	sbr.abs _section_cstart, $3  }
0xc3: {  	[dreg:$0x1] =	wrdreg $0xFFFFFFFF  }
0xc4: {  	_ =	task.clear_ibuf [dreg:s8], $0x2FFFF;
	_ =	strace $0x9FFFFFFF  }
0xc5: {  	(tm) =	ssettm $0x7FFFFFFF  }
tec
execute0_lowered:
.L_overlay_start_1:
0x0: {  	(tag) =	ssettag $0x1  }
0x1: {  	s0 =	rddreg [dreg:$0x0]  }
0x2: {  	s7 =	rddreg [dreg:$0x1]  }
0x3: {  	s10 =	rddreg [dreg:$0x2]  }
0x4: {  	s1 =	rddreg [dreg:$0x3];
	s3 =	simm.s32 $0x0  }
0x5: {  	s4 =	srdreg.scid;
	s2 =	stileid.u32;
	s14 =	simm.s32 $0x80  }
0x6: {  	s15 =	simm.s32 $0x2080;
	s16 =	simm.s32 $0x4080;
	s17 =	simm.s32 $0x1  }
0x7: {  	s18 =	simm.s32 $0x8080;
	s19 =	simm.s32 $0xA080;
	s20 =	simm.s32 $0xC080  }
0x8: {  	s21 =	simm.s32 $0xC0C0;
	s22 =	simm.s32 $0x2;
	s23 =	simm.s32 $0x0  }
0x9: {  	[smem:$0x7FF] =	sst s3;
	s5 =	sand.u32 $0x1, s4;
	s6 =	sshll.u32 s2, $0x1  }
0xa: {  	s8 =	smul.u32 $0x9400, s2;
	s4 =	sadd.s32 $0x23200, s0;
	s29 =	sshll.u32 s2, $0x6  }
0xb: {  	_ =	strace $0x80000047;
	s9 =	sor.u32 s5, s6;
	s5 =	ssub.s32 $0x2, s5  }
0xc: {  	s6 =	sshll.u32 s9, $0xA;
	s11 =	sshrl.u32 s8, $0x3;
	s26 =	sshrl.u32 s5, $0x1  }
0xd: {  	s13 =	sadd.s32 s8, s1;
	s30 =	sshll.u32 s9, $0x4;
	s31 =	sshll.u32 s9, $0xB  }
0xe: {  	s12 =	sadd.s32 s6, s0;
	s0 =	sadd.s32 s11, s0;
	s28 =	ssub.s32 s5, s26  }
0xf: {  	s6 =	sor.u32 $0x1C03, s29;
	s7 =	sadd.s32 s7, s30;
	s10 =	sadd.s32 s10, s31  }
0x10: {  	v0 =	vlaneseq.u32;
	s5 =	sadd.s32 $0xA00, s0;
	s8 =	sadd.s32 $0x1B200, s12;
	s9 =	sadd.s32 $0x13200, s12  }
0x11: {  	v0 =	vmul.u32 $0x2, v0;
	s11 =	smax.u32 s28, $0x1;
	s12 =	sshrl.u32 s13, $0x3;
	s13 =	simm.s32 $0x3  }
.LBB2_1:
0x12: {  	[spmem:s12], [sflag:s6] =	dma.local [hbm:s5], $0x1280  }
0x13: {  	_ =	swait.ge [sflag:s13], $0x1280  }
0x14: {  	[sflag:s13] =	ssyncset.done $0x0  }
0x15: {  	[sflag:s13] =	ssyncadd.s32 $0xFFFFED80  }
0x16: {  	[tilespmem:s3], [sflag:$0x3] =	stream.linear.gather [hbm4b:s7+s3], $0x80, $0x38;
	[tilespmem:$0x194C0] =	vst v63  }
0x17: {  	_ =	swait.ge [sflag:s13], $0x80  }
0x18: {  	[sflag:s13] =	ssyncset.done $0x0  }
0x19: {  	[sflag:s13] =	ssyncadd.s32 $0xFFFFFF80  }
0x1a: {  	[tilespmem:s14], [sflag:$0x3] =	stream.linear.gather [hbm4b:s8+s3], $0x2000, $0x38;
	[tilespmem:$0x194C0] =	vst v63  }
0x1b: {  	_ =	swait.ge [sflag:s13], $0x2000  }
0x1c: {  	[sflag:s13] =	ssyncset.done $0x0  }
0x1d: {  	[sflag:s13] =	ssyncadd.s32 $0xFFFFE000  }
0x1e: {  	[tilespmem:s15], [sflag:$0x3] =	stream.linear.gather [hbm4b:s9+s3], $0x2000, $0x38;
	[tilespmem:$0x194C0] =	vst v63  }
0x1f: {  	_ =	swait.ge [sflag:s13], $0x2000  }
0x20: {  	[sflag:s13] =	ssyncset.done $0x0  }
0x21: {  	[sflag:s13] =	ssyncadd.s32 $0xFFFFE000  }
0x22: {  	[tilespmem:s16], [sflag:$0x1] =	stream.indirect.gather [hbm4b:s4+s14], $0x80, s3, s14, $0xb8;
	[tilespmem:$0x194C0] =	vst v63  }
0x23: {  	_ =	swait.ge [sflag:s17], $0x4000  }
0x24: {  	[sflag:s17] =	ssyncset.done $0x0  }
0x25: {  	[sflag:s17] =	ssyncadd.s32 $0xFFFFC000  }
0x26: {  	s24 =	simm.s32 $0x0;
	[bflag:$0x0] =	sbarrier.arrive $0xFFFF  }
0x27: {  	[tilespmem:s18], [sflag:$0x1] =	stream.indirect.gather [spmem:s1], $0x40, s15, s14, $0xb8;
	[tilespmem:$0x194C0] =	vst v63  }
.LBB2_2:
0x28: {  	s25 =	sshllo.u32 s24, $0x1  }
0x29: {  	s0 =	sshll.u32 s25, $0x9  }
0x2a: {  	s26 =	sshrl.u32 s0, $0x2  }
0x2b: {  	s0 =	sadd.s32 $0x2080, s26  }
0x2c: {  	[tilespmem:s19], [sflag:$0x2] =	stream.indirect.gather [spmem:s1], $0x40, s0, s14, $0xb8;
	[tilespmem:$0x194C0] =	vst v63  }
0x2d: {  	_ =	swait.ge [sflag:s17], $0x2000  }
0x2e: {  	s2 =	sshll.u32 s24, $0x8;
	[sflag:s17] =	ssyncset.done $0x0  }
0x2f: {  	s0 =	sand.u32 $0x3FFFFF00, s2;
	[sflag:s17] =	ssyncadd.s32 $0xFFFFE000  }
0x30: {  	v1 =	vld [tilespmem:s0+$0x80]  }
0x31: {  	v2 =	vld [tilespmem:s0+$0x90];
	_ =	sdelay $0x1  }
0x32: {  	v3 =	vld [tilespmem:s0+$0xA0]  }
0x33: {  	v4 =	vld [tilespmem:s0+$0xB0];
	_ =	sdelay $0x1  }
0x34: {  	s29 =	sshll.u32 s24, $0x9;
	v5 =	vand.u32 $0xFFFFFFF8, v1;
	v1 =	vand.u32 $0x7, v1;
	v6 =	vand.u32 $0xFFFFFFF8, v2  }
0x35: {  	v2 =	vand.u32 $0x7, v2;
	v5 =	vadd.s32 s29, v5;
	v6 =	vadd.s32 s29, v6  }
0x36: {  	v1 =	vor.u32 v1, v5;
	v2 =	vor.u32 v2, v6;
	v5 =	vand.u32 $0xFFFFFFF8, v3  }
0x37: {  	v3 =	vand.u32 $0x7, v3;
	v6 =	vand.u32 $0xFFFFFFF8, v4;
	v5 =	vadd.s32 s29, v5  }
0x38: {  	v4 =	vand.u32 $0x7, v4;
	v3 =	vor.u32 v3, v5;
	v5 =	vadd.s32 s29, v6  }
0x39: {  	v4 =	vor.u32 v4, v5;
	_ =	sdelay $0x1  }
0x3a: {  	v1 =	vld.idx.msk [tilespmem:v1+s16+$0x0], $0xffff  }
0x3b: {  	v2 =	vld.idx.msk [tilespmem:v2+s16+$0x0], $0xffff  }
0x3c: {  	v3 =	vld.idx.msk [tilespmem:v3+s16+$0x0], $0xffff  }
0x3d: {  	v4 =	vld.idx.msk [tilespmem:v4+s16+$0x0], $0xffff;
	_ =	sdelay $0x4  }
0x3e: {  	v5 =	vmax.f32 v1, v2;
	v6 =	vmax.f32 v3, v4  }
0x3f: {  	v5 =	vmax.f32 v5, v6  }
0x40: {  	(xrf0) =	vmax.scan.msk.f32 $0xffff, v5;
	_ =	sdelay $0x5  }
0x41: {  	v5, _, _ =	vpop (xrf0)  }
0x42: {  	v5 =	vbroadcast v5, $0xF;
	_ =	sdelay $0x1  }
0x43: {  	v1 =	vsub.f32 v1, v5  }
0x44: {  	v2 =	vsub.f32 v2, v5  }
0x45: {  	v1 =	vmul.f32 $1.442695020e+00, v1  }
0x46: {  	v3 =	vsub.f32 v3, v5;
	v2 =	vmul.f32 $1.442695020e+00, v2  }
0x47: {  	(erf) = vpow2.f32 v1  }
0x48: {  	v1 =	vmul.f32 $1.442695020e+00, v3;
	(erf) = vpow2.f32 v2;
	v2 =	vsub.f32 v4, v5;
	_ =	sdelay $0x1  }
0x49: {  	(erf) = vpow2.f32 v1;
	v1 =	vmul.f32 $1.442695020e+00, v2;
	_ =	sdelay $0x1  }
0x4a: {  	(erf) = vpow2.f32 v1;
	_ =	sdelay $0x3  }
0x4b: {  	v1 =	vpop (erf)  }
0x4c: {  	v2 =	vpop (erf);
	(xrf2) =	vadd.scan.msk.f32 $0xffff, v1  }
0x4d: {  	(xrf2) =	vadd.scan.msk.f32 $0xffff, v2  }
0x4e: {  	v3 =	vpop (erf)  }
0x4f: {  	(xrf2) =	vadd.scan.msk.f32 $0xffff, v3  }
0x50: {  	v4 =	vpop (erf)  }
0x51: {  	(xrf2) =	vadd.scan.msk.f32 $0xffff, v4;
	_ =	sdelay $0x4  }
0x52: {  	v5, _, _ =	vpop (xrf2)  }
0x53: {  	v6, _, _ =	vpop (xrf2);
	(v2sf) =	vpush v5, $0xF  }
0x54: {  	(v2sf) =	vpush v6, $0xF  }
0x55: {  	v5, _, _ =	vpop (xrf2)  }
0x56: {  	(v2sf) =	vpush v5, $0xF  }
0x57: {  	v5, _, _ =	vpop (xrf2)  }
0x58: {  	(v2sf) =	vpush v5, $0xF;
	_ =	sdelay $0x9  }
0x59: {  	s2 =	spop (v2sf)  }
0x5a: {  	s28 =	spop (v2sf)  }
0x5b: {  	s0 =	sadd.f32 s28, s2  }
0x5c: {  	s28 =	spop (v2sf)  }
0x5d: {  	s0 =	sadd.f32 s0, s28  }
0x5e: {  	s28 =	spop (v2sf)  }
0x5f: {  	s0 =	sadd.f32 s0, s28;
	_ =	sdelay $0x1  }
0x60: {  	v5 =	vmov s0  }
0x61: {  	(erf) = vrcp.f32 v5;
	_ =	sdelay $0x8  }
0x62: {  	v5 =	vpop (erf)  }
0x63: {  	v1 =	vmul.f32 v5, v1  }
0x64: {  	v2 =	vmul.f32 v5, v2  }
0x65: {  	[tilespmem:$0xC080] =	vst v1;
	v1 =	vmul.f32 v5, v3  }
0x66: {  	s28 =	simm.s32 $0x1;
	[tilespmem:$0xC090] =	vst v2;
	v2 =	vmul.f32 v5, v4  }
0x67: {  	s2 =	simm.s32 $0x0;
	v4 =	vmov s28;
	[tilespmem:$0xC0A0] =	vst v1  }
0x68: {  	v3 =	vmov s2;
	s2 =	simm.s32 $0x80C0;
	[tilespmem:$0xC0B0] =	vst v2  }
0x69: {  	v1 =	vand.u32 $0xFFFFFFFE, v3;
	v2 =	vld [tilespmem:s2+$0x0]  }
0x6a: {  	v1 =	vbroadcast v1, $0x0;
	v3 =	vld [tilespmem:s2+$0x10]  }
0x6b: {  	v7 =	vld [tilespmem:s2+$0x20]  }
0x6c: {  	v4 =	vld.idx.msk [tilespmem:v4+s20+$0x0], $0xffff  }
0x6d: {  	v8 =	vld [tilespmem:s2+$0x30]  }
0x6e: {  	v9 =	vld [tilespmem:s2+$0xFFFFFFC0]  }
0x6f: {  	s28 =	simm.s32 $0x2;
	v10 =	vld [tilespmem:s2+$0xFFFFFFD0]  }
0x70: {  	v5 =	vmov s28;
	v1 =	vld.idx.msk [tilespmem:v1+s20+$0x0], $0xffff  }
0x71: {  	v6 =	vand.u32 $0xFFFFFFFE, v5;
	v11 =	vld [tilespmem:s2+$0xFFFFFFE0];
	v4 =	vpack.i.f32.bf16 v4, v4  }
0x72: {  	s28 =	simm.s32 $0x3;
	v5 =	vimm.f32 $0.0e+00;
	v6 =	vbroadcast v6, $0x0;
	v12 =	vld [tilespmem:s2+$0xFFFFFFF0];
	v2 =	vmul.bf16 v2, v4  }
0x73: {  	v13 =	vmov s28;
	v3 =	vmul.bf16 v3, v4;
	v14 =	vmul.bf16 v7, v4  }
0x74: {  	v7 =	vmul.bf16 v8, v4;
	v16 =	vunpack.i.u.bf16.f32 v2;
	v2 =	vunpack.i.l.bf16.f32 v2  }
0x75: {  	v4 =	vunpack.i.u.bf16.f32 v3;
	v3 =	vunpack.i.l.bf16.f32 v3;
	v1 =	vpack.i.f32.bf16 v1, v1  }
0x76: {  	v8 =	vunpack.i.u.bf16.f32 v14;
	v9 =	vmul.bf16 v9, v1;
	v10 =	vmul.bf16 v10, v1  }
0x77: {  	v17 =	vmul.bf16 v11, v1;
	v15 =	vmul.bf16 v12, v1;
	v11 =	vunpack.i.l.bf16.f32 v14  }
0x78: {  	v1 =	vunpack.i.u.bf16.f32 v9;
	v9 =	vunpack.i.l.bf16.f32 v9;
	v12 =	vunpack.i.u.bf16.f32 v10  }
0x79: {  	v18 =	vunpack.i.u.bf16.f32 v17;
	v20 =	vunpack.i.l.bf16.f32 v17;
	v14 =	vadd.f32 v9, v5  }
0x7a: {  	s31 =	simm.s32 $0x8140;
	v17 =	vld.idx.msk [tilespmem:v13+s20+$0x0], $0xffff;
	v19 =	vadd.f32 v1, v5;
	v1 =	vunpack.i.l.bf16.f32 v10;
	v12 =	vadd.f32 v12, v5  }
0x7b: {  	v13 =	vimm.f32 $0.0e+00;
	v9 =	vld [tilespmem:s31+$0x0];
	v21 =	vadd.f32 v1, v5;
	v1 =	vadd.f32 v2, v14  }
0x7c: {  	v10 =	vld [tilespmem:s31+$0x10];
	v2 =	vadd.f32 v16, v19;
	v19 =	vunpack.i.u.bf16.f32 v15;
	v4 =	vadd.f32 v4, v12  }
0x7d: {  	s30 =	sshll.u32 s24, $0x2;
	s0 =	simm.s32 $0x4;
	s28 =	sshll.u32 s24, $0x1;
	v16 =	vld [tilespmem:s31+$0x20];
	v12 =	vimm.f32 $0.0e+00;
	v14 =	vimm.f32 $0.0e+00;
	v3 =	vadd.f32 v3, v21  }
.LBB2_3:
0x7e: {  	p0 =	slt.u32 s0, $0x3E;
	v21 =	vld [tilespmem:s31+$0x30];
	v5 =	vadd.f32 v20, v5;
	v12 =	vadd.f32 v18, v12;
	v15 =	vunpack.i.l.bf16.f32 v15  }
0x7f: {  	v13 =	vadd.f32 v19, v13;
	v18 =	vld.idx.msk [tilespmem:v6+s20+$0x0], $0xffff;
	v6 =	vadd.f32 v15, v14;
	v15 =	vunpack.i.u.bf16.f32 v7  }
0x80: {  	v7 =	vunpack.i.l.bf16.f32 v7;
	v19 =	vld [tilespmem:s31+$0xFFFFFFC0];
	v5 =	vadd.f32 v11, v5;
	v12 =	vadd.f32 v8, v12  }
0x81: {  	v8 =	vmov s0;
	v13 =	vadd.f32 v15, v13;
	v11 =	vld [tilespmem:s31+$0xFFFFFFD0];
	v14 =	vadd.f32 v7, v6  }
0x82: {  	v6 =	vand.u32 $0xFFFFFFFE, v8;
	v7 =	vpack.i.f32.bf16 v17, v17;
	v15 =	vld [tilespmem:s31+$0xFFFFFFE0]  }
0x83: {  	s2 =	sadd.s32 $0x1, s0;
	v6 =	vbroadcast v6, $0x0;
	v8 =	vmul.bf16 v9, v7;
	v17 =	vld [tilespmem:s31+$0xFFFFFFF0]  }
0x84: {  	v20 =	vmov s2;
	v9 =	vmul.bf16 v10, v7;
	v10 =	vmul.bf16 v16, v7  }
0x85: {  	v7 =	vmul.bf16 v21, v7;
	v16 =	vpack.i.f32.bf16 v18, v18;
	v22 =	vunpack.i.u.bf16.f32 v8  }
0x86: {  	v21 =	vunpack.i.l.bf16.f32 v8;
	v23 =	vunpack.i.u.bf16.f32 v9;
	v24 =	vunpack.i.l.bf16.f32 v9  }
0x87: {  	v8 =	vunpack.i.u.bf16.f32 v10;
	v9 =	vmul.bf16 v19, v16;
	v18 =	vmul.bf16 v11, v16  }
0x88: {  	v11 =	vunpack.i.l.bf16.f32 v10;
	v19 =	vmul.bf16 v15, v16;
	v15 =	vmul.bf16 v17, v16  }
.Ltmp0:
0x89: {  	s31 =	sadd.s32 $0x80, s31;
	v10 =	vunpack.i.u.bf16.f32 v9;
	v16 =	vunpack.i.l.bf16.f32 v9;
	v17 =	vunpack.i.u.bf16.f32 v18;
	(pc) =	sbr.rel @p0 .LBB2_3-.Ltmp0, $4  }
0x8a: {  	v2 =	vadd.f32 v10, v2;
	v1 =	vadd.f32 v16, v1;
	v16 =	vunpack.i.l.bf16.f32 v18;
	v9 =	vld [tilespmem:s31+$0x0]  }
0x8b: {  	v4 =	vadd.f32 v17, v4;
	v18 =	vunpack.i.u.bf16.f32 v19;
	v3 =	vadd.f32 v16, v3;
	v10 =	vld [tilespmem:s31+$0x10]  }
0x8c: {  	v2 =	vadd.f32 v22, v2;
	v1 =	vadd.f32 v21, v1;
	v17 =	vld.idx.msk [tilespmem:v20+s20+$0x0], $0xffff;
	v20 =	vunpack.i.l.bf16.f32 v19  }
0x8d: {  	s0 =	sadd.s32 $0x2, s0;
	v4 =	vadd.f32 v23, v4;
	v19 =	vunpack.i.u.bf16.f32 v15;
	v3 =	vadd.f32 v24, v3;
	v16 =	vld [tilespmem:s31+$0x20]  }
0x8e: {  	_ =	sdelay $0x2  }
0x8f: {  	v21 =	vld [tilespmem:s31+$0x30]  }
0x90: {  	v5 =	vadd.f32 v20, v5;
	v15 =	vunpack.i.l.bf16.f32 v15;
	v6 =	vld.idx.msk [tilespmem:v6+s20+$0x0], $0xffff  }
0x91: {  	v12 =	vadd.f32 v18, v12;
	v14 =	vadd.f32 v15, v14;
	v15 =	vld [tilespmem:s31+$0xFFFFFFC0]  }
0x92: {  	v13 =	vadd.f32 v19, v13;
	v18 =	vunpack.i.u.bf16.f32 v7;
	v5 =	vadd.f32 v11, v5;
	v11 =	vld [tilespmem:s31+$0xFFFFFFD0]  }
0x93: {  	v7 =	vunpack.i.l.bf16.f32 v7;
	v8 =	vadd.f32 v8, v12;
	v12 =	vld [tilespmem:s31+$0xFFFFFFE0];
	v17 =	vpack.i.f32.bf16 v17, v17  }
0x94: {  	v13 =	vadd.f32 v18, v13;
	v7 =	vadd.f32 v7, v14;
	v14 =	vld [tilespmem:s31+$0xFFFFFFF0];
	v9 =	vmul.bf16 v9, v17  }
0x95: {  	v10 =	vmul.bf16 v10, v17;
	v16 =	vmul.bf16 v16, v17;
	v6 =	vpack.i.f32.bf16 v6, v6  }
0x96: {  	v17 =	vmul.bf16 v21, v17;
	v18 =	vunpack.i.u.bf16.f32 v9;
	v9 =	vunpack.i.l.bf16.f32 v9  }
0x97: {  	v19 =	vunpack.i.u.bf16.f32 v10;
	v10 =	vunpack.i.l.bf16.f32 v10;
	v15 =	vmul.bf16 v15, v6  }
0x98: {  	v20 =	vunpack.i.u.bf16.f32 v16;
	v11 =	vmul.bf16 v11, v6;
	v12 =	vmul.bf16 v12, v6  }
0x99: {  	v6 =	vmul.bf16 v14, v6;
	v14 =	vunpack.i.l.bf16.f32 v16;
	v16 =	vunpack.i.l.bf16.f32 v15  }
0x9a: {  	v15 =	vunpack.i.u.bf16.f32 v15;
	v21 =	vunpack.i.u.bf16.f32 v11;
	v1 =	vadd.f32 v16, v1  }
0x9b: {  	s0 =	sor.u32 $0x1, s29;
	v2 =	vadd.f32 v15, v2;
	v11 =	vunpack.i.l.bf16.f32 v11;
	v15 =	vor.u32 s29, v0  }
0x9c: {  	s31 =	sor.u32 $0x20, s29;
	v16 =	vunpack.i.u.bf16.f32 v12;
	v3 =	vadd.f32 v11, v3;
	v11 =	vor.u32 s0, v0  }
0x9d: {  	s2 =	sor.u32 $0x21, s29;
	v12 =	vunpack.i.l.bf16.f32 v12;
	v4 =	vadd.f32 v21, v4;
	v21 =	vor.u32 s31, v0  }
0x9e: {  	s31 =	sor.u32 $0x40, s29;
	v5 =	vadd.f32 v12, v5;
	v1 =	vadd.f32 v9, v1;
	v9 =	vor.u32 s2, v0  }
0x9f: {  	v2 =	vadd.f32 v18, v2;
	s2 =	sor.u32 $0x41, s29;
	v3 =	vadd.f32 v10, v3;
	v10 =	vor.u32 s31, v0  }
0xa0: {  	v8 =	vadd.f32 v16, v8;
	v18 =	vunpack.i.u.bf16.f32 v6;
	s31 =	sor.u32 $0x60, s29;
	[tilespmem:v15+s21+$0x0] =	vst.idx.msk $0xffff, v1;
	v1 =	vor.u32 s2, v0  }
0xa1: {  	v6 =	vunpack.i.l.bf16.f32 v6;
	v4 =	vadd.f32 v19, v4;
	s2 =	sor.u32 $0x61, s29;
	[tilespmem:v11+s21+$0x0] =	vst.idx.msk $0xffff, v2;
	v2 =	vor.u32 s31, v0  }
0xa2: {  	v6 =	vadd.f32 v6, v7;
	v5 =	vadd.f32 v14, v5;
	[tilespmem:v21+s21+$0x0] =	vst.idx.msk $0xffff, v3;
	v3 =	vor.u32 s2, v0  }
0xa3: {  	v7 =	vadd.f32 v18, v13;
	v8 =	vadd.f32 v20, v8;
	v11 =	vunpack.i.l.bf16.f32 v17;
	[tilespmem:v9+s21+$0x0] =	vst.idx.msk $0xffff, v4  }
0xa4: {  	v6 =	vadd.f32 v11, v6;
	v4 =	vunpack.i.u.bf16.f32 v17;
	[tilespmem:v10+s21+$0x0] =	vst.idx.msk $0xffff, v5  }
0xa5: {  	s31 =	sor.u32 $0x1, s30;
	v4 =	vadd.f32 v4, v7;
	[tilespmem:v1+s21+$0x0] =	vst.idx.msk $0xffff, v8  }
0xa6: {  	s2 =	sshll.u32 s31, $0x6;
	[tilespmem:v2+s21+$0x0] =	vst.idx.msk $0xffff, v6  }
0xa7: {  	s2 =	sand.u32 $0x3FFFFFC0, s2;
	[tilespmem:v3+s21+$0x0] =	vst.idx.msk $0xffff, v4  }
0xa8: {  	v1 =	vld [tilespmem:s2+$0x80]  }
0xa9: {  	v2 =	vld [tilespmem:s2+$0x90];
	_ =	sdelay $0x1  }
0xaa: {  	v3 =	vld [tilespmem:s2+$0xA0]  }
0xab: {  	v4 =	vld [tilespmem:s2+$0xB0];
	_ =	sdelay $0x1  }
0xac: {  	s29 =	sshll.u32 s31, $0x7;
	v5 =	vand.u32 $0xFFFFFFF8, v1;
	v1 =	vand.u32 $0x7, v1;
	v6 =	vand.u32 $0xFFFFFFF8, v2  }
0xad: {  	v2 =	vand.u32 $0x7, v2;
	v5 =	vadd.s32 s29, v5;
	v6 =	vadd.s32 s29, v6  }
0xae: {  	v1 =	vor.u32 v1, v5;
	v2 =	vor.u32 v2, v6;
	v5 =	vand.u32 $0xFFFFFFF8, v3  }
0xaf: {  	v3 =	vand.u32 $0x7, v3;
	v6 =	vand.u32 $0xFFFFFFF8, v4;
	v5 =	vadd.s32 s29, v5  }
0xb0: {  	v4 =	vand.u32 $0x7, v4;
	v3 =	vor.u32 v3, v5;
	v5 =	vadd.s32 s29, v6  }
0xb1: {  	v4 =	vor.u32 v4, v5;
	_ =	sdelay $0x1  }
0xb2: {  	v1 =	vld.idx.msk [tilespmem:v1+s16+$0x0], $0xffff  }
0xb3: {  	v2 =	vld.idx.msk [tilespmem:v2+s16+$0x0], $0xffff  }
0xb4: {  	v3 =	vld.idx.msk [tilespmem:v3+s16+$0x0], $0xffff  }
0xb5: {  	v4 =	vld.idx.msk [tilespmem:v4+s16+$0x0], $0xffff;
	_ =	sdelay $0x4  }
0xb6: {  	v5 =	vmax.f32 v1, v2;
	v6 =	vmax.f32 v3, v4  }
0xb7: {  	v5 =	vmax.f32 v5, v6  }
0xb8: {  	(xrf0) =	vmax.scan.msk.f32 $0xffff, v5;
	_ =	sdelay $0x5  }
0xb9: {  	v5, _, _ =	vpop (xrf0)  }
0xba: {  	v5 =	vbroadcast v5, $0xF;
	_ =	sdelay $0x1  }
0xbb: {  	v1 =	vsub.f32 v1, v5  }
0xbc: {  	v2 =	vsub.f32 v2, v5  }
0xbd: {  	v1 =	vmul.f32 $1.442695020e+00, v1  }
0xbe: {  	v3 =	vsub.f32 v3, v5;
	v2 =	vmul.f32 $1.442695020e+00, v2  }
0xbf: {  	(erf) = vpow2.f32 v1  }
0xc0: {  	v1 =	vmul.f32 $1.442695020e+00, v3;
	(erf) = vpow2.f32 v2;
	v2 =	vsub.f32 v4, v5;
	_ =	sdelay $0x1  }
0xc1: {  	(erf) = vpow2.f32 v1;
	v1 =	vmul.f32 $1.442695020e+00, v2;
	_ =	sdelay $0x1  }
0xc2: {  	(erf) = vpow2.f32 v1;
	_ =	sdelay $0x3  }
0xc3: {  	v1 =	vpop (erf)  }
0xc4: {  	v2 =	vpop (erf);
	(xrf2) =	vadd.scan.msk.f32 $0xffff, v1  }
0xc5: {  	(xrf2) =	vadd.scan.msk.f32 $0xffff, v2  }
0xc6: {  	v3 =	vpop (erf)  }
0xc7: {  	(xrf2) =	vadd.scan.msk.f32 $0xffff, v3  }
0xc8: {  	v4 =	vpop (erf)  }
0xc9: {  	(xrf2) =	vadd.scan.msk.f32 $0xffff, v4;
	_ =	sdelay $0x4  }
0xca: {  	v5, _, _ =	vpop (xrf2)  }
0xcb: {  	v6, _, _ =	vpop (xrf2);
	(v2sf) =	vpush v5, $0xF  }
0xcc: {  	(v2sf) =	vpush v6, $0xF  }
0xcd: {  	v5, _, _ =	vpop (xrf2)  }
0xce: {  	(v2sf) =	vpush v5, $0xF  }
0xcf: {  	v5, _, _ =	vpop (xrf2)  }
0xd0: {  	(v2sf) =	vpush v5, $0xF;
	_ =	sdelay $0x9  }
0xd1: {  	s2 =	spop (v2sf)  }
0xd2: {  	s31 =	spop (v2sf)  }
0xd3: {  	s0 =	sadd.f32 s31, s2  }
0xd4: {  	s31 =	spop (v2sf)  }
0xd5: {  	s0 =	sadd.f32 s0, s31  }
0xd6: {  	s31 =	spop (v2sf)  }
0xd7: {  	s0 =	sadd.f32 s0, s31;
	_ =	sdelay $0x1  }
0xd8: {  	v5 =	vmov s0  }
0xd9: {  	(erf) = vrcp.f32 v5;
	_ =	sdelay $0x8  }
0xda: {  	v5 =	vpop (erf)  }
0xdb: {  	v1 =	vmul.f32 v5, v1  }
0xdc: {  	v2 =	vmul.f32 v5, v2  }
0xdd: {  	[tilespmem:$0xC080] =	vst v1;
	v1 =	vmul.f32 v5, v3  }
0xde: {  	s31 =	simm.s32 $0x1;
	[tilespmem:$0xC090] =	vst v2;
	v2 =	vmul.f32 v5, v4  }
0xdf: {  	s2 =	simm.s32 $0x0;
	v4 =	vmov s31;
	[tilespmem:$0xC0A0] =	vst v1  }
0xe0: {  	s0 =	simm.s32 $0x90F0;
	v3 =	vmov s2;
	[tilespmem:$0xC0B0] =	vst v2  }
0xe1: {  	v1 =	vand.u32 $0xFFFFFFFE, v3;
	v2 =	vld [tilespmem:s0+$0xFFFFFFD0]  }
0xe2: {  	v1 =	vbroadcast v1, $0x0;
	v3 =	vld [tilespmem:s0+$0xFFFFFFE0]  }
0xe3: {  	v7 =	vld [tilespmem:s0+$0xFFFFFFF0]  }
0xe4: {  	v4 =	vld.idx.msk [tilespmem:v4+s20+$0x0], $0xffff  }
0xe5: {  	v8 =	vld [tilespmem:s0+$0x0]  }
0xe6: {  	v9 =	vld [tilespmem:s0+$0xFFFFFF90]  }
0xe7: {  	s31 =	simm.s32 $0x2;
	v10 =	vld [tilespmem:s0+$0xFFFFFFA0]  }
0xe8: {  	v5 =	vmov s31;
	v1 =	vld.idx.msk [tilespmem:v1+s20+$0x0], $0xffff  }
0xe9: {  	v6 =	vand.u32 $0xFFFFFFFE, v5;
	v11 =	vld [tilespmem:s0+$0xFFFFFFB0];
	v4 =	vpack.i.f32.bf16 v4, v4  }
0xea: {  	s31 =	simm.s32 $0x3;
	v5 =	vimm.f32 $0.0e+00;
	v6 =	vbroadcast v6, $0x0;
	v12 =	vld [tilespmem:s0+$0xFFFFFFC0];
	v2 =	vmul.bf16 v2, v4  }
0xeb: {  	v13 =	vmov s31;
	v3 =	vmul.bf16 v3, v4;
	v14 =	vmul.bf16 v7, v4  }
0xec: {  	v7 =	vmul.bf16 v8, v4;
	v15 =	vunpack.i.u.bf16.f32 v2;
	v2 =	vunpack.i.l.bf16.f32 v2  }
0xed: {  	v4 =	vunpack.i.u.bf16.f32 v3;
	v3 =	vunpack.i.l.bf16.f32 v3;
	v1 =	vpack.i.f32.bf16 v1, v1  }
0xee: {  	v8 =	vunpack.i.u.bf16.f32 v14;
	v9 =	vmul.bf16 v9, v1;
	v10 =	vmul.bf16 v10, v1  }
0xef: {  	v17 =	vmul.bf16 v11, v1;
	v16 =	vmul.bf16 v12, v1;
	v11 =	vunpack.i.l.bf16.f32 v14  }
0xf0: {  	v1 =	vunpack.i.u.bf16.f32 v9;
	v9 =	vunpack.i.l.bf16.f32 v9;
	v12 =	vunpack.i.u.bf16.f32 v10  }
0xf1: {  	v18 =	vunpack.i.u.bf16.f32 v17;
	v20 =	vunpack.i.l.bf16.f32 v17;
	v14 =	vadd.f32 v9, v5  }
0xf2: {  	s30 =	simm.s32 $0x9170;
	v17 =	vld.idx.msk [tilespmem:v13+s20+$0x0], $0xffff;
	v19 =	vadd.f32 v1, v5;
	v1 =	vunpack.i.l.bf16.f32 v10;
	v12 =	vadd.f32 v12, v5  }
0xf3: {  	v13 =	vimm.f32 $0.0e+00;
	v9 =	vld [tilespmem:s30+$0xFFFFFFD0];
	v21 =	vadd.f32 v1, v5;
	v1 =	vadd.f32 v2, v14  }
0xf4: {  	v10 =	vld [tilespmem:s30+$0xFFFFFFE0];
	v2 =	vadd.f32 v15, v19;
	v19 =	vunpack.i.u.bf16.f32 v16;
	v4 =	vadd.f32 v4, v12  }
0xf5: {  	s0 =	simm.s32 $0x4;
	v15 =	vld [tilespmem:s30+$0xFFFFFFF0];
	v12 =	vimm.f32 $0.0e+00;
	v14 =	vimm.f32 $0.0e+00;
	v3 =	vadd.f32 v3, v21  }
.LBB2_5:
0xf6: {  	p0 =	slt.u32 s0, $0x3E;
	v21 =	vld [tilespmem:s30+$0x0];
	v5 =	vadd.f32 v20, v5;
	v12 =	vadd.f32 v18, v12;
	v16 =	vunpack.i.l.bf16.f32 v16  }
0xf7: {  	v13 =	vadd.f32 v19, v13;
	v18 =	vld.idx.msk [tilespmem:v6+s20+$0x0], $0xffff;
	v6 =	vadd.f32 v16, v14;
	v16 =	vunpack.i.u.bf16.f32 v7  }
0xf8: {  	v7 =	vunpack.i.l.bf16.f32 v7;
	v19 =	vld [tilespmem:s30+$0xFFFFFF90];
	v5 =	vadd.f32 v11, v5;
	v12 =	vadd.f32 v8, v12  }
0xf9: {  	v8 =	vmov s0;
	v13 =	vadd.f32 v16, v13;
	v11 =	vld [tilespmem:s30+$0xFFFFFFA0];
	v14 =	vadd.f32 v7, v6  }
0xfa: {  	v6 =	vand.u32 $0xFFFFFFFE, v8;
	v7 =	vpack.i.f32.bf16 v17, v17;
	v16 =	vld [tilespmem:s30+$0xFFFFFFB0]  }
0xfb: {  	s2 =	sadd.s32 $0x1, s0;
	v6 =	vbroadcast v6, $0x0;
	v8 =	vmul.bf16 v9, v7;
	v17 =	vld [tilespmem:s30+$0xFFFFFFC0]  }
0xfc: {  	v20 =	vmov s2;
	v9 =	vmul.bf16 v10, v7;
	v10 =	vmul.bf16 v15, v7  }
0xfd: {  	v7 =	vmul.bf16 v21, v7;
	v15 =	vpack.i.f32.bf16 v18, v18;
	v22 =	vunpack.i.u.bf16.f32 v8  }
0xfe: {  	v21 =	vunpack.i.l.bf16.f32 v8;
	v23 =	vunpack.i.u.bf16.f32 v9;
	v24 =	vunpack.i.l.bf16.f32 v9  }
0xff: {  	v8 =	vunpack.i.u.bf16.f32 v10;
	v9 =	vmul.bf16 v19, v15;
	v18 =	vmul.bf16 v11, v15  }
0x100: {  	v11 =	vunpack.i.l.bf16.f32 v10;
	v19 =	vmul.bf16 v16, v15;
	v16 =	vmul.bf16 v17, v15  }
.Ltmp1:
0x101: {  	s30 =	sadd.s32 $0x80, s30;
	v10 =	vunpack.i.u.bf16.f32 v9;
	v15 =	vunpack.i.l.bf16.f32 v9;
	v17 =	vunpack.i.u.bf16.f32 v18;
	(pc) =	sbr.rel @p0 .LBB2_5-.Ltmp1, $4  }
0x102: {  	v2 =	vadd.f32 v10, v2;
	v1 =	vadd.f32 v15, v1;
	v15 =	vunpack.i.l.bf16.f32 v18;
	v9 =	vld [tilespmem:s30+$0xFFFFFFD0]  }
0x103: {  	v4 =	vadd.f32 v17, v4;
	v18 =	vunpack.i.u.bf16.f32 v19;
	v3 =	vadd.f32 v15, v3;
	v10 =	vld [tilespmem:s30+$0xFFFFFFE0]  }
0x104: {  	v2 =	vadd.f32 v22, v2;
	v1 =	vadd.f32 v21, v1;
	v17 =	vld.idx.msk [tilespmem:v20+s20+$0x0], $0xffff;
	v20 =	vunpack.i.l.bf16.f32 v19  }
0x105: {  	s0 =	sadd.s32 $0x2, s0;
	v4 =	vadd.f32 v23, v4;
	v19 =	vunpack.i.u.bf16.f32 v16;
	v3 =	vadd.f32 v24, v3;
	v15 =	vld [tilespmem:s30+$0xFFFFFFF0]  }
0x106: {  	_ =	sdelay $0x2  }
0x107: {  	v21 =	vld [tilespmem:s30+$0x0]  }
0x108: {  	v5 =	vadd.f32 v20, v5;
	v16 =	vunpack.i.l.bf16.f32 v16;
	v6 =	vld.idx.msk [tilespmem:v6+s20+$0x0], $0xffff  }
0x109: {  	v12 =	vadd.f32 v18, v12;
	v14 =	vadd.f32 v16, v14;
	v16 =	vld [tilespmem:s30+$0xFFFFFF90]  }
0x10a: {  	v13 =	vadd.f32 v19, v13;
	v18 =	vunpack.i.u.bf16.f32 v7;
	v5 =	vadd.f32 v11, v5;
	v11 =	vld [tilespmem:s30+$0xFFFFFFA0]  }
0x10b: {  	v7 =	vunpack.i.l.bf16.f32 v7;
	v8 =	vadd.f32 v8, v12;
	v12 =	vld [tilespmem:s30+$0xFFFFFFB0];
	v17 =	vpack.i.f32.bf16 v17, v17  }
0x10c: {  	v13 =	vadd.f32 v18, v13;
	v7 =	vadd.f32 v7, v14;
	v14 =	vld [tilespmem:s30+$0xFFFFFFC0];
	v9 =	vmul.bf16 v9, v17  }
0x10d: {  	v10 =	vmul.bf16 v10, v17;
	v15 =	vmul.bf16 v15, v17;
	v6 =	vpack.i.f32.bf16 v6, v6  }
0x10e: {  	v17 =	vmul.bf16 v21, v17;
	v18 =	vunpack.i.u.bf16.f32 v9;
	v9 =	vunpack.i.l.bf16.f32 v9  }
0x10f: {  	v19 =	vunpack.i.u.bf16.f32 v10;
	v10 =	vunpack.i.l.bf16.f32 v10;
	v16 =	vmul.bf16 v16, v6  }
0x110: {  	v20 =	vunpack.i.u.bf16.f32 v15;
	v11 =	vmul.bf16 v11, v6;
	v12 =	vmul.bf16 v12, v6  }
0x111: {  	v6 =	vmul.bf16 v14, v6;
	v14 =	vunpack.i.l.bf16.f32 v15;
	v15 =	vunpack.i.l.bf16.f32 v16  }
0x112: {  	v16 =	vunpack.i.u.bf16.f32 v16;
	v21 =	vunpack.i.u.bf16.f32 v11;
	v1 =	vadd.f32 v15, v1  }
0x113: {  	s0 =	sor.u32 $0x1, s29;
	v2 =	vadd.f32 v16, v2;
	v11 =	vunpack.i.l.bf16.f32 v11;
	v15 =	vor.u32 s29, v0  }
0x114: {  	s30 =	sor.u32 $0x20, s29;
	v16 =	vunpack.i.u.bf16.f32 v12;
	v3 =	vadd.f32 v11, v3;
	v11 =	vor.u32 s0, v0  }
0x115: {  	s31 =	sor.u32 $0x21, s29;
	v12 =	vunpack.i.l.bf16.f32 v12;
	v4 =	vadd.f32 v21, v4;
	v21 =	vor.u32 s30, v0  }
0x116: {  	s2 =	sor.u32 $0x40, s29;
	v5 =	vadd.f32 v12, v5;
	v1 =	vadd.f32 v9, v1;
	v9 =	vor.u32 s31, v0  }
0x117: {  	s30 =	sor.u32 $0x41, s29;
	v2 =	vadd.f32 v18, v2;
	v3 =	vadd.f32 v10, v3;
	v10 =	vor.u32 s2, v0  }
0x118: {  	v8 =	vadd.f32 v16, v8;
	v18 =	vunpack.i.u.bf16.f32 v6;
	s31 =	sor.u32 $0x60, s29;
	[tilespmem:v15+s21+$0x0] =	vst.idx.msk $0xffff, v1;
	v1 =	vor.u32 s30, v0  }
0x119: {  	v6 =	vunpack.i.l.bf16.f32 v6;
	v4 =	vadd.f32 v19, v4;
	s2 =	sor.u32 $0x61, s29;
	[tilespmem:v11+s21+$0x0] =	vst.idx.msk $0xffff, v2;
	v2 =	vor.u32 s31, v0  }
0x11a: {  	v6 =	vadd.f32 v6, v7;
	v5 =	vadd.f32 v14, v5;
	[tilespmem:v21+s21+$0x0] =	vst.idx.msk $0xffff, v3;
	v3 =	vor.u32 s2, v0  }
0x11b: {  	v7 =	vadd.f32 v18, v13;
	v8 =	vadd.f32 v20, v8;
	v11 =	vunpack.i.l.bf16.f32 v17;
	[tilespmem:v9+s21+$0x0] =	vst.idx.msk $0xffff, v4  }
0x11c: {  	v6 =	vadd.f32 v11, v6;
	v4 =	vunpack.i.u.bf16.f32 v17;
	[tilespmem:v10+s21+$0x0] =	vst.idx.msk $0xffff, v5  }
0x11d: {  	s29 =	smin.u32 s28, $0x3D;
	v4 =	vadd.f32 v4, v7;
	[tilespmem:v1+s21+$0x0] =	vst.idx.msk $0xffff, v8  }
0x11e: {  	s0 =	sshll.u32 s29, $0x7;
	[tilespmem:v2+s21+$0x0] =	vst.idx.msk $0xffff, v6  }
0x11f: {  	s0 =	sadd.s32 $0x2180, s0;
	[tilespmem:v3+s21+$0x0] =	vst.idx.msk $0xffff, v4  }
0x120: {  	[tilespmem:s18], [sflag:$0x1] =	stream.indirect.gather [spmem:s1], $0x40, s0, s14, $0xb8;
	[tilespmem:$0x194C0] =	vst v63  }
0x121: {  	_ =	swait.ge [sflag:s22], $0x2000  }
0x122: {  	[sflag:s22] =	ssyncset.done $0x0  }
0x123: {  	[sflag:s22] =	ssyncadd.s32 $0xFFFFE000  }
0x124: {  	v1 =	vld [tilespmem:s26+$0x80]  }
0x125: {  	v2 =	vld [tilespmem:s26+$0x90];
	_ =	sdelay $0x1  }
0x126: {  	v3 =	vld [tilespmem:s26+$0xA0]  }
0x127: {  	v4 =	vld [tilespmem:s26+$0xB0];
	_ =	sdelay $0x1  }
0x128: {  	s26 =	sshll.u32 s25, $0x8;
	v5 =	vand.u32 $0xFFFFFFF8, v1;
	v1 =	vand.u32 $0x7, v1;
	v6 =	vand.u32 $0xFFFFFFF8, v2  }
0x129: {  	v2 =	vand.u32 $0x7, v2;
	v5 =	vadd.s32 s26, v5;
	v6 =	vadd.s32 s26, v6  }
0x12a: {  	v1 =	vor.u32 v1, v5;
	v2 =	vor.u32 v2, v6;
	v5 =	vand.u32 $0xFFFFFFF8, v3  }
0x12b: {  	v3 =	vand.u32 $0x7, v3;
	v6 =	vand.u32 $0xFFFFFFF8, v4;
	v5 =	vadd.s32 s26, v5  }
0x12c: {  	v4 =	vand.u32 $0x7, v4;
	v3 =	vor.u32 v3, v5;
	v5 =	vadd.s32 s26, v6  }
0x12d: {  	v4 =	vor.u32 v4, v5;
	_ =	sdelay $0x1  }
0x12e: {  	v1 =	vld.idx.msk [tilespmem:v1+s16+$0x0], $0xffff  }
0x12f: {  	v2 =	vld.idx.msk [tilespmem:v2+s16+$0x0], $0xffff  }
0x130: {  	v3 =	vld.idx.msk [tilespmem:v3+s16+$0x0], $0xffff  }
0x131: {  	v4 =	vld.idx.msk [tilespmem:v4+s16+$0x0], $0xffff;
	_ =	sdelay $0x4  }
0x132: {  	v5 =	vmax.f32 v1, v2;
	v6 =	vmax.f32 v3, v4  }
0x133: {  	v5 =	vmax.f32 v5, v6  }
0x134: {  	(xrf0) =	vmax.scan.msk.f32 $0xffff, v5;
	_ =	sdelay $0x5  }
0x135: {  	v5, _, _ =	vpop (xrf0)  }
0x136: {  	v5 =	vbroadcast v5, $0xF;
	_ =	sdelay $0x1  }
0x137: {  	v1 =	vsub.f32 v1, v5  }
0x138: {  	v2 =	vsub.f32 v2, v5  }
0x139: {  	v1 =	vmul.f32 $1.442695020e+00, v1  }
0x13a: {  	v3 =	vsub.f32 v3, v5;
	v2 =	vmul.f32 $1.442695020e+00, v2  }
0x13b: {  	(erf) = vpow2.f32 v1  }
0x13c: {  	v1 =	vmul.f32 $1.442695020e+00, v3;
	(erf) = vpow2.f32 v2;
	v2 =	vsub.f32 v4, v5;
	_ =	sdelay $0x1  }
0x13d: {  	(erf) = vpow2.f32 v1;
	v1 =	vmul.f32 $1.442695020e+00, v2;
	_ =	sdelay $0x1  }
0x13e: {  	(erf) = vpow2.f32 v1;
	_ =	sdelay $0x3  }
0x13f: {  	v1 =	vpop (erf)  }
0x140: {  	v2 =	vpop (erf);
	(xrf2) =	vadd.scan.msk.f32 $0xffff, v1  }
0x141: {  	(xrf2) =	vadd.scan.msk.f32 $0xffff, v2  }
0x142: {  	v3 =	vpop (erf)  }
0x143: {  	(xrf2) =	vadd.scan.msk.f32 $0xffff, v3  }
0x144: {  	v4 =	vpop (erf)  }
0x145: {  	(xrf2) =	vadd.scan.msk.f32 $0xffff, v4;
	_ =	sdelay $0x4  }
0x146: {  	v5, _, _ =	vpop (xrf2)  }
0x147: {  	v6, _, _ =	vpop (xrf2);
	(v2sf) =	vpush v5, $0xF  }
0x148: {  	(v2sf) =	vpush v6, $0xF  }
0x149: {  	v5, _, _ =	vpop (xrf2)  }
0x14a: {  	(v2sf) =	vpush v5, $0xF  }
0x14b: {  	v5, _, _ =	vpop (xrf2)  }
0x14c: {  	(v2sf) =	vpush v5, $0xF;
	_ =	sdelay $0x9  }
0x14d: {  	s30 =	spop (v2sf)  }
0x14e: {  	s2 =	spop (v2sf)  }
0x14f: {  	s0 =	sadd.f32 s2, s30  }
0x150: {  	s31 =	spop (v2sf)  }
0x151: {  	s0 =	sadd.f32 s0, s31  }
0x152: {  	s29 =	spop (v2sf)  }
0x153: {  	s0 =	sadd.f32 s0, s29;
	_ =	sdelay $0x1  }
0x154: {  	v5 =	vmov s0  }
0x155: {  	(erf) = vrcp.f32 v5;
	_ =	sdelay $0x8  }
0x156: {  	v5 =	vpop (erf)  }
0x157: {  	v1 =	vmul.f32 v5, v1  }
0x158: {  	v2 =	vmul.f32 v5, v2  }
0x159: {  	[tilespmem:$0xC080] =	vst v1;
	v1 =	vmul.f32 v5, v3  }
0x15a: {  	s31 =	simm.s32 $0x1;
	[tilespmem:$0xC090] =	vst v2;
	v2 =	vmul.f32 v5, v4  }
0x15b: {  	s30 =	simm.s32 $0x0;
	v4 =	vmov s31;
	[tilespmem:$0xC0A0] =	vst v1  }
0x15c: {  	s29 =	simm.s32 $0xA0C0;
	v3 =	vmov s30;
	[tilespmem:$0xC0B0] =	vst v2  }
0x15d: {  	v1 =	vand.u32 $0xFFFFFFFE, v3;
	v2 =	vld [tilespmem:s29+$0x0]  }
0x15e: {  	v1 =	vbroadcast v1, $0x0;
	v3 =	vld [tilespmem:s29+$0x10]  }
0x15f: {  	v7 =	vld [tilespmem:s29+$0x20]  }
0x160: {  	v4 =	vld.idx.msk [tilespmem:v4+s20+$0x0], $0xffff  }
0x161: {  	v8 =	vld [tilespmem:s29+$0x30]  }
0x162: {  	v9 =	vld [tilespmem:s29+$0xFFFFFFC0]  }
0x163: {  	s30 =	simm.s32 $0x2;
	v10 =	vld [tilespmem:s29+$0xFFFFFFD0]  }
0x164: {  	v5 =	vmov s30;
	v1 =	vld.idx.msk [tilespmem:v1+s20+$0x0], $0xffff  }
0x165: {  	s31 =	simm.s32 $0x3;
	v6 =	vand.u32 $0xFFFFFFFE, v5;
	v11 =	vld [tilespmem:s29+$0xFFFFFFE0];
	v4 =	vpack.i.f32.bf16 v4, v4  }
0x166: {  	v13 =	vmov s31;
	v6 =	vbroadcast v6, $0x0;
	v12 =	vld [tilespmem:s29+$0xFFFFFFF0];
	v2 =	vmul.bf16 v2, v4  }
0x167: {  	v5 =	vimm.f32 $0.0e+00;
	v3 =	vmul.bf16 v3, v4;
	v14 =	vmul.bf16 v7, v4  }
0x168: {  	v7 =	vmul.bf16 v8, v4;
	v15 =	vunpack.i.u.bf16.f32 v2;
	v2 =	vunpack.i.l.bf16.f32 v2  }
0x169: {  	v4 =	vunpack.i.u.bf16.f32 v3;
	v3 =	vunpack.i.l.bf16.f32 v3;
	v1 =	vpack.i.f32.bf16 v1, v1  }
0x16a: {  	v8 =	vunpack.i.u.bf16.f32 v14;
	v9 =	vmul.bf16 v9, v1;
	v10 =	vmul.bf16 v10, v1  }
0x16b: {  	v17 =	vmul.bf16 v11, v1;
	v16 =	vmul.bf16 v12, v1;
	v11 =	vunpack.i.l.bf16.f32 v14  }
0x16c: {  	v1 =	vunpack.i.u.bf16.f32 v9;
	v9 =	vunpack.i.l.bf16.f32 v9;
	v12 =	vunpack.i.u.bf16.f32 v10  }
0x16d: {  	v18 =	vunpack.i.u.bf16.f32 v17;
	v20 =	vunpack.i.l.bf16.f32 v17;
	v14 =	vadd.f32 v9, v5  }
0x16e: {  	s28 =	simm.s32 $0xA140;
	v17 =	vld.idx.msk [tilespmem:v13+s20+$0x0], $0xffff;
	v19 =	vadd.f32 v1, v5;
	v1 =	vunpack.i.l.bf16.f32 v10;
	v12 =	vadd.f32 v12, v5  }
0x16f: {  	v13 =	vimm.f32 $0.0e+00;
	v9 =	vld [tilespmem:s28+$0x0];
	v21 =	vadd.f32 v1, v5;
	v1 =	vadd.f32 v2, v14  }
0x170: {  	v10 =	vld [tilespmem:s28+$0x10];
	v2 =	vadd.f32 v15, v19;
	v19 =	vunpack.i.u.bf16.f32 v16;
	v4 =	vadd.f32 v4, v12  }
0x171: {  	s25 =	sshll.u32 s25, $0x1;
	s0 =	simm.s32 $0x4;
	v15 =	vld [tilespmem:s28+$0x20];
	v12 =	vimm.f32 $0.0e+00;
	v14 =	vimm.f32 $0.0e+00;
	v3 =	vadd.f32 v3, v21  }
.LBB2_7:
0x172: {  	p0 =	slt.u32 s0, $0x3E;
	v21 =	vld [tilespmem:s28+$0x30];
	v5 =	vadd.f32 v20, v5;
	v12 =	vadd.f32 v18, v12;
	v16 =	vunpack.i.l.bf16.f32 v16  }
0x173: {  	v13 =	vadd.f32 v19, v13;
	v18 =	vld.idx.msk [tilespmem:v6+s20+$0x0], $0xffff;
	v6 =	vadd.f32 v16, v14;
	v16 =	vunpack.i.u.bf16.f32 v7  }
0x174: {  	v7 =	vunpack.i.l.bf16.f32 v7;
	v19 =	vld [tilespmem:s28+$0xFFFFFFC0];
	v5 =	vadd.f32 v11, v5;
	v12 =	vadd.f32 v8, v12  }
0x175: {  	v8 =	vmov s0;
	v13 =	vadd.f32 v16, v13;
	v11 =	vld [tilespmem:s28+$0xFFFFFFD0];
	v14 =	vadd.f32 v7, v6  }
0x176: {  	v6 =	vand.u32 $0xFFFFFFFE, v8;
	v7 =	vpack.i.f32.bf16 v17, v17;
	v16 =	vld [tilespmem:s28+$0xFFFFFFE0]  }
0x177: {  	s2 =	sadd.s32 $0x1, s0;
	v6 =	vbroadcast v6, $0x0;
	v8 =	vmul.bf16 v9, v7;
	v17 =	vld [tilespmem:s28+$0xFFFFFFF0]  }
0x178: {  	v20 =	vmov s2;
	v9 =	vmul.bf16 v10, v7;
	v10 =	vmul.bf16 v15, v7  }
0x179: {  	v7 =	vmul.bf16 v21, v7;
	v15 =	vpack.i.f32.bf16 v18, v18;
	v22 =	vunpack.i.u.bf16.f32 v8  }
0x17a: {  	v21 =	vunpack.i.l.bf16.f32 v8;
	v23 =	vunpack.i.u.bf16.f32 v9;
	v24 =	vunpack.i.l.bf16.f32 v9  }
0x17b: {  	v8 =	vunpack.i.u.bf16.f32 v10;
	v9 =	vmul.bf16 v19, v15;
	v18 =	vmul.bf16 v11, v15  }
0x17c: {  	v11 =	vunpack.i.l.bf16.f32 v10;
	v19 =	vmul.bf16 v16, v15;
	v16 =	vmul.bf16 v17, v15  }
.Ltmp2:
0x17d: {  	s28 =	sadd.s32 $0x80, s28;
	v10 =	vunpack.i.u.bf16.f32 v9;
	v15 =	vunpack.i.l.bf16.f32 v9;
	v17 =	vunpack.i.u.bf16.f32 v18;
	(pc) =	sbr.rel @p0 .LBB2_7-.Ltmp2, $4  }
0x17e: {  	v2 =	vadd.f32 v10, v2;
	v1 =	vadd.f32 v15, v1;
	v15 =	vunpack.i.l.bf16.f32 v18;
	v9 =	vld [tilespmem:s28+$0x0]  }
0x17f: {  	v4 =	vadd.f32 v17, v4;
	v18 =	vunpack.i.u.bf16.f32 v19;
	v3 =	vadd.f32 v15, v3;
	v10 =	vld [tilespmem:s28+$0x10]  }
0x180: {  	v2 =	vadd.f32 v22, v2;
	v1 =	vadd.f32 v21, v1;
	v17 =	vld.idx.msk [tilespmem:v20+s20+$0x0], $0xffff;
	v20 =	vunpack.i.l.bf16.f32 v19  }
0x181: {  	s0 =	sadd.s32 $0x2, s0;
	v4 =	vadd.f32 v23, v4;
	v19 =	vunpack.i.u.bf16.f32 v16;
	v3 =	vadd.f32 v24, v3;
	v15 =	vld [tilespmem:s28+$0x20]  }
0x182: {  	_ =	sdelay $0x2  }
0x183: {  	v21 =	vld [tilespmem:s28+$0x30]  }
0x184: {  	v5 =	vadd.f32 v20, v5;
	v16 =	vunpack.i.l.bf16.f32 v16;
	v6 =	vld.idx.msk [tilespmem:v6+s20+$0x0], $0xffff  }
0x185: {  	v12 =	vadd.f32 v18, v12;
	v14 =	vadd.f32 v16, v14;
	v16 =	vld [tilespmem:s28+$0xFFFFFFC0]  }
0x186: {  	v13 =	vadd.f32 v19, v13;
	v18 =	vunpack.i.u.bf16.f32 v7;
	v5 =	vadd.f32 v11, v5;
	v11 =	vld [tilespmem:s28+$0xFFFFFFD0]  }
0x187: {  	v7 =	vunpack.i.l.bf16.f32 v7;
	v8 =	vadd.f32 v8, v12;
	v12 =	vld [tilespmem:s28+$0xFFFFFFE0];
	v17 =	vpack.i.f32.bf16 v17, v17  }
0x188: {  	v13 =	vadd.f32 v18, v13;
	v7 =	vadd.f32 v7, v14;
	v14 =	vld [tilespmem:s28+$0xFFFFFFF0];
	v9 =	vmul.bf16 v9, v17  }
0x189: {  	v10 =	vmul.bf16 v10, v17;
	v15 =	vmul.bf16 v15, v17;
	v6 =	vpack.i.f32.bf16 v6, v6  }
0x18a: {  	v17 =	vmul.bf16 v21, v17;
	v18 =	vunpack.i.u.bf16.f32 v9;
	v9 =	vunpack.i.l.bf16.f32 v9  }
0x18b: {  	v19 =	vunpack.i.u.bf16.f32 v10;
	v10 =	vunpack.i.l.bf16.f32 v10;
	v16 =	vmul.bf16 v16, v6  }
0x18c: {  	v20 =	vunpack.i.u.bf16.f32 v15;
	v11 =	vmul.bf16 v11, v6;
	v12 =	vmul.bf16 v12, v6  }
0x18d: {  	v6 =	vmul.bf16 v14, v6;
	v14 =	vunpack.i.l.bf16.f32 v15;
	v15 =	vunpack.i.l.bf16.f32 v16  }
0x18e: {  	v16 =	vunpack.i.u.bf16.f32 v16;
	v21 =	vunpack.i.u.bf16.f32 v11;
	v1 =	vadd.f32 v15, v1  }
0x18f: {  	s0 =	sor.u32 $0x1, s26;
	v2 =	vadd.f32 v16, v2;
	v11 =	vunpack.i.l.bf16.f32 v11;
	v15 =	vor.u32 s26, v0  }
0x190: {  	s2 =	sor.u32 $0x20, s26;
	v16 =	vunpack.i.u.bf16.f32 v12;
	v3 =	vadd.f32 v11, v3;
	v11 =	vor.u32 s0, v0  }
0x191: {  	s28 =	sor.u32 $0x21, s26;
	v12 =	vunpack.i.l.bf16.f32 v12;
	v4 =	vadd.f32 v21, v4;
	v21 =	vor.u32 s2, v0  }
0x192: {  	s29 =	sor.u32 $0x40, s26;
	v5 =	vadd.f32 v12, v5;
	v1 =	vadd.f32 v9, v1;
	v9 =	vor.u32 s28, v0  }
0x193: {  	s30 =	sor.u32 $0x41, s26;
	v2 =	vadd.f32 v18, v2;
	v3 =	vadd.f32 v10, v3;
	v10 =	vor.u32 s29, v0  }
0x194: {  	s31 =	sor.u32 $0x60, s26;
	v8 =	vadd.f32 v16, v8;
	v18 =	vunpack.i.u.bf16.f32 v6;
	[tilespmem:v15+s21+$0x0] =	vst.idx.msk $0xffff, v1;
	v1 =	vor.u32 s30, v0  }
0x195: {  	s2 =	sor.u32 $0x61, s26;
	v6 =	vunpack.i.l.bf16.f32 v6;
	v4 =	vadd.f32 v19, v4;
	[tilespmem:v11+s21+$0x0] =	vst.idx.msk $0xffff, v2;
	v2 =	vor.u32 s31, v0  }
0x196: {  	v6 =	vadd.f32 v6, v7;
	v5 =	vadd.f32 v14, v5;
	[tilespmem:v21+s21+$0x0] =	vst.idx.msk $0xffff, v3;
	v3 =	vor.u32 s2, v0  }
0x197: {  	v7 =	vadd.f32 v18, v13;
	v8 =	vadd.f32 v20, v8;
	v11 =	vunpack.i.l.bf16.f32 v17;
	[tilespmem:v9+s21+$0x0] =	vst.idx.msk $0xffff, v4  }
0x198: {  	v6 =	vadd.f32 v11, v6;
	v4 =	vunpack.i.u.bf16.f32 v17;
	[tilespmem:v10+s21+$0x0] =	vst.idx.msk $0xffff, v5  }
0x199: {  	s26 =	sor.u32 $0x1, s25;
	v4 =	vadd.f32 v4, v7;
	[tilespmem:v1+s21+$0x0] =	vst.idx.msk $0xffff, v8  }
0x19a: {  	s2 =	sshll.u32 s26, $0x6;
	[tilespmem:v2+s21+$0x0] =	vst.idx.msk $0xffff, v6  }
0x19b: {  	s2 =	sand.u32 $0x3FFFFFC0, s2;
	[tilespmem:v3+s21+$0x0] =	vst.idx.msk $0xffff, v4  }
0x19c: {  	v1 =	vld [tilespmem:s2+$0x80]  }
0x19d: {  	v2 =	vld [tilespmem:s2+$0x90];
	_ =	sdelay $0x1  }
0x19e: {  	v3 =	vld [tilespmem:s2+$0xA0]  }
0x19f: {  	v4 =	vld [tilespmem:s2+$0xB0];
	_ =	sdelay $0x1  }
0x1a0: {  	s25 =	sshll.u32 s26, $0x7;
	v5 =	vand.u32 $0xFFFFFFF8, v1;
	v1 =	vand.u32 $0x7, v1;
	v6 =	vand.u32 $0xFFFFFFF8, v2  }
0x1a1: {  	v2 =	vand.u32 $0x7, v2;
	v5 =	vadd.s32 s25, v5;
	v6 =	vadd.s32 s25, v6  }
0x1a2: {  	v1 =	vor.u32 v1, v5;
	v2 =	vor.u32 v2, v6;
	v5 =	vand.u32 $0xFFFFFFF8, v3  }
0x1a3: {  	v3 =	vand.u32 $0x7, v3;
	v6 =	vand.u32 $0xFFFFFFF8, v4;
	v5 =	vadd.s32 s25, v5  }
0x1a4: {  	v4 =	vand.u32 $0x7, v4;
	v3 =	vor.u32 v3, v5;
	v5 =	vadd.s32 s25, v6  }
0x1a5: {  	v4 =	vor.u32 v4, v5;
	_ =	sdelay $0x1  }
0x1a6: {  	v1 =	vld.idx.msk [tilespmem:v1+s16+$0x0], $0xffff  }
0x1a7: {  	v2 =	vld.idx.msk [tilespmem:v2+s16+$0x0], $0xffff  }
0x1a8: {  	v3 =	vld.idx.msk [tilespmem:v3+s16+$0x0], $0xffff  }
0x1a9: {  	v4 =	vld.idx.msk [tilespmem:v4+s16+$0x0], $0xffff;
	_ =	sdelay $0x4  }
0x1aa: {  	v5 =	vmax.f32 v1, v2;
	v6 =	vmax.f32 v3, v4  }
0x1ab: {  	v5 =	vmax.f32 v5, v6  }
0x1ac: {  	(xrf0) =	vmax.scan.msk.f32 $0xffff, v5;
	_ =	sdelay $0x5  }
0x1ad: {  	v5, _, _ =	vpop (xrf0)  }
0x1ae: {  	v5 =	vbroadcast v5, $0xF;
	_ =	sdelay $0x1  }
0x1af: {  	v1 =	vsub.f32 v1, v5  }
0x1b0: {  	v2 =	vsub.f32 v2, v5  }
0x1b1: {  	v1 =	vmul.f32 $1.442695020e+00, v1  }
0x1b2: {  	v3 =	vsub.f32 v3, v5;
	v2 =	vmul.f32 $1.442695020e+00, v2  }
0x1b3: {  	(erf) = vpow2.f32 v1  }
0x1b4: {  	v1 =	vmul.f32 $1.442695020e+00, v3;
	(erf) = vpow2.f32 v2;
	v2 =	vsub.f32 v4, v5;
	_ =	sdelay $0x1  }
0x1b5: {  	(erf) = vpow2.f32 v1;
	v1 =	vmul.f32 $1.442695020e+00, v2;
	_ =	sdelay $0x1  }
0x1b6: {  	(erf) = vpow2.f32 v1;
	_ =	sdelay $0x3  }
0x1b7: {  	v1 =	vpop (erf)  }
0x1b8: {  	v2 =	vpop (erf);
	(xrf2) =	vadd.scan.msk.f32 $0xffff, v1  }
0x1b9: {  	(xrf2) =	vadd.scan.msk.f32 $0xffff, v2  }
0x1ba: {  	v3 =	vpop (erf)  }
0x1bb: {  	(xrf2) =	vadd.scan.msk.f32 $0xffff, v3  }
0x1bc: {  	v4 =	vpop (erf)  }
0x1bd: {  	(xrf2) =	vadd.scan.msk.f32 $0xffff, v4;
	_ =	sdelay $0x4  }
0x1be: {  	v5, _, _ =	vpop (xrf2)  }
0x1bf: {  	v6, _, _ =	vpop (xrf2);
	(v2sf) =	vpush v5, $0xF  }
0x1c0: {  	(v2sf) =	vpush v6, $0xF  }
0x1c1: {  	v5, _, _ =	vpop (xrf2)  }
0x1c2: {  	(v2sf) =	vpush v5, $0xF  }
0x1c3: {  	v5, _, _ =	vpop (xrf2)  }
0x1c4: {  	(v2sf) =	vpush v5, $0xF;
	_ =	sdelay $0x9  }
0x1c5: {  	s28 =	spop (v2sf)  }
0x1c6: {  	s29 =	spop (v2sf)  }
0x1c7: {  	s0 =	sadd.f32 s29, s28  }
0x1c8: {  	s30 =	spop (v2sf)  }
0x1c9: {  	s0 =	sadd.f32 s0, s30  }
0x1ca: {  	s31 =	spop (v2sf)  }
0x1cb: {  	s0 =	sadd.f32 s0, s31;
	_ =	sdelay $0x1  }
0x1cc: {  	v5 =	vmov s0  }
0x1cd: {  	(erf) = vrcp.f32 v5;
	_ =	sdelay $0x8  }
0x1ce: {  	v5 =	vpop (erf)  }
0x1cf: {  	v1 =	vmul.f32 v5, v1  }
0x1d0: {  	v2 =	vmul.f32 v5, v2  }
0x1d1: {  	[tilespmem:$0xC080] =	vst v1;
	v1 =	vmul.f32 v5, v3  }
0x1d2: {  	s28 =	simm.s32 $0x1;
	[tilespmem:$0xC090] =	vst v2;
	v2 =	vmul.f32 v5, v4  }
0x1d3: {  	s26 =	simm.s32 $0x0;
	v4 =	vmov s28;
	[tilespmem:$0xC0A0] =	vst v1  }
0x1d4: {  	s29 =	simm.s32 $0xB0F0;
	v3 =	vmov s26;
	[tilespmem:$0xC0B0] =	vst v2  }
0x1d5: {  	v1 =	vand.u32 $0xFFFFFFFE, v3;
	v2 =	vld [tilespmem:s29+$0xFFFFFFD0]  }
0x1d6: {  	v1 =	vbroadcast v1, $0x0;
	v3 =	vld [tilespmem:s29+$0xFFFFFFE0]  }
0x1d7: {  	v7 =	vld [tilespmem:s29+$0xFFFFFFF0]  }
0x1d8: {  	v4 =	vld.idx.msk [tilespmem:v4+s20+$0x0], $0xffff  }
0x1d9: {  	v8 =	vld [tilespmem:s29+$0x0]  }
0x1da: {  	v9 =	vld [tilespmem:s29+$0xFFFFFF90]  }
0x1db: {  	s30 =	simm.s32 $0x2;
	v10 =	vld [tilespmem:s29+$0xFFFFFFA0]  }
0x1dc: {  	v5 =	vmov s30;
	v1 =	vld.idx.msk [tilespmem:v1+s20+$0x0], $0xffff  }
0x1dd: {  	s31 =	simm.s32 $0x3;
	v6 =	vand.u32 $0xFFFFFFFE, v5;
	v11 =	vld [tilespmem:s29+$0xFFFFFFB0];
	v4 =	vpack.i.f32.bf16 v4, v4  }
0x1de: {  	v13 =	vmov s31;
	v6 =	vbroadcast v6, $0x0;
	v12 =	vld [tilespmem:s29+$0xFFFFFFC0];
	v2 =	vmul.bf16 v2, v4  }
0x1df: {  	v5 =	vimm.f32 $0.0e+00;
	v3 =	vmul.bf16 v3, v4;
	v14 =	vmul.bf16 v7, v4  }
0x1e0: {  	v7 =	vmul.bf16 v8, v4;
	v15 =	vunpack.i.u.bf16.f32 v2;
	v2 =	vunpack.i.l.bf16.f32 v2  }
0x1e1: {  	v4 =	vunpack.i.u.bf16.f32 v3;
	v3 =	vunpack.i.l.bf16.f32 v3;
	v1 =	vpack.i.f32.bf16 v1, v1  }
0x1e2: {  	v8 =	vunpack.i.u.bf16.f32 v14;
	v9 =	vmul.bf16 v9, v1;
	v10 =	vmul.bf16 v10, v1  }
0x1e3: {  	v17 =	vmul.bf16 v11, v1;
	v16 =	vmul.bf16 v12, v1;
	v11 =	vunpack.i.l.bf16.f32 v14  }
0x1e4: {  	v1 =	vunpack.i.u.bf16.f32 v9;
	v9 =	vunpack.i.l.bf16.f32 v9;
	v12 =	vunpack.i.u.bf16.f32 v10  }
0x1e5: {  	v18 =	vunpack.i.u.bf16.f32 v17;
	v20 =	vunpack.i.l.bf16.f32 v17;
	v14 =	vadd.f32 v9, v5  }
0x1e6: {  	s26 =	simm.s32 $0xB170;
	v17 =	vld.idx.msk [tilespmem:v13+s20+$0x0], $0xffff;
	v19 =	vadd.f32 v1, v5;
	v1 =	vunpack.i.l.bf16.f32 v10;
	v12 =	vadd.f32 v12, v5  }
0x1e7: {  	v13 =	vimm.f32 $0.0e+00;
	v9 =	vld [tilespmem:s26+$0xFFFFFFD0];
	v21 =	vadd.f32 v1, v5;
	v1 =	vadd.f32 v2, v14  }
0x1e8: {  	v10 =	vld [tilespmem:s26+$0xFFFFFFE0];
	v2 =	vadd.f32 v15, v19;
	v19 =	vunpack.i.u.bf16.f32 v16;
	v4 =	vadd.f32 v4, v12  }
0x1e9: {  	s0 =	simm.s32 $0x4;
	v15 =	vld [tilespmem:s26+$0xFFFFFFF0];
	v12 =	vimm.f32 $0.0e+00;
	v14 =	vimm.f32 $0.0e+00;
	v3 =	vadd.f32 v3, v21  }
.LBB2_9:
0x1ea: {  	p0 =	slt.u32 s0, $0x3E;
	v21 =	vld [tilespmem:s26+$0x0];
	v5 =	vadd.f32 v20, v5;
	v12 =	vadd.f32 v18, v12;
	v16 =	vunpack.i.l.bf16.f32 v16  }
0x1eb: {  	v13 =	vadd.f32 v19, v13;
	v18 =	vld.idx.msk [tilespmem:v6+s20+$0x0], $0xffff;
	v6 =	vadd.f32 v16, v14;
	v16 =	vunpack.i.u.bf16.f32 v7  }
0x1ec: {  	v7 =	vunpack.i.l.bf16.f32 v7;
	v19 =	vld [tilespmem:s26+$0xFFFFFF90];
	v5 =	vadd.f32 v11, v5;
	v12 =	vadd.f32 v8, v12  }
0x1ed: {  	v8 =	vmov s0;
	v13 =	vadd.f32 v16, v13;
	v11 =	vld [tilespmem:s26+$0xFFFFFFA0];
	v14 =	vadd.f32 v7, v6  }
0x1ee: {  	v6 =	vand.u32 $0xFFFFFFFE, v8;
	v7 =	vpack.i.f32.bf16 v17, v17;
	v16 =	vld [tilespmem:s26+$0xFFFFFFB0]  }
0x1ef: {  	s2 =	sadd.s32 $0x1, s0;
	v6 =	vbroadcast v6, $0x0;
	v8 =	vmul.bf16 v9, v7;
	v17 =	vld [tilespmem:s26+$0xFFFFFFC0]  }
0x1f0: {  	v20 =	vmov s2;
	v9 =	vmul.bf16 v10, v7;
	v10 =	vmul.bf16 v15, v7  }
0x1f1: {  	v7 =	vmul.bf16 v21, v7;
	v15 =	vpack.i.f32.bf16 v18, v18;
	v22 =	vunpack.i.u.bf16.f32 v8  }
0x1f2: {  	v21 =	vunpack.i.l.bf16.f32 v8;
	v23 =	vunpack.i.u.bf16.f32 v9;
	v24 =	vunpack.i.l.bf16.f32 v9  }
0x1f3: {  	v8 =	vunpack.i.u.bf16.f32 v10;
	v9 =	vmul.bf16 v19, v15;
	v18 =	vmul.bf16 v11, v15  }
0x1f4: {  	v11 =	vunpack.i.l.bf16.f32 v10;
	v19 =	vmul.bf16 v16, v15;
	v16 =	vmul.bf16 v17, v15  }
.Ltmp3:
0x1f5: {  	s26 =	sadd.s32 $0x80, s26;
	v10 =	vunpack.i.u.bf16.f32 v9;
	v15 =	vunpack.i.l.bf16.f32 v9;
	v17 =	vunpack.i.u.bf16.f32 v18;
	(pc) =	sbr.rel @p0 .LBB2_9-.Ltmp3, $4  }
0x1f6: {  	v2 =	vadd.f32 v10, v2;
	v1 =	vadd.f32 v15, v1;
	v15 =	vunpack.i.l.bf16.f32 v18;
	v9 =	vld [tilespmem:s26+$0xFFFFFFD0]  }
0x1f7: {  	v4 =	vadd.f32 v17, v4;
	v18 =	vunpack.i.u.bf16.f32 v19;
	v3 =	vadd.f32 v15, v3;
	v10 =	vld [tilespmem:s26+$0xFFFFFFE0]  }
0x1f8: {  	v2 =	vadd.f32 v22, v2;
	v1 =	vadd.f32 v21, v1;
	v17 =	vld.idx.msk [tilespmem:v20+s20+$0x0], $0xffff;
	v20 =	vunpack.i.l.bf16.f32 v19  }
0x1f9: {  	s0 =	sadd.s32 $0x2, s0;
	v4 =	vadd.f32 v23, v4;
	v19 =	vunpack.i.u.bf16.f32 v16;
	v3 =	vadd.f32 v24, v3;
	v15 =	vld [tilespmem:s26+$0xFFFFFFF0]  }
0x1fa: {  	_ =	sdelay $0x2  }
0x1fb: {  	v21 =	vld [tilespmem:s26+$0x0]  }
0x1fc: {  	v6 =	vld.idx.msk [tilespmem:v6+s20+$0x0], $0xffff  }
0x1fd: {  	v5 =	vadd.f32 v20, v5;
	v42 =	vld [tilespmem:s26+$0xFFFFFF90]  }
0x1fe: {  	v16 =	vunpack.i.l.bf16.f32 v16;
	v12 =	vadd.f32 v18, v12;
	v13 =	vadd.f32 v19, v13;
	v44 =	vld [tilespmem:s26+$0xFFFFFFA0]  }
0x1ff: {  	v43 =	vunpack.i.u.bf16.f32 v7;
	v45 =	vunpack.i.l.bf16.f32 v7;
	v46 =	vld [tilespmem:s26+$0xFFFFFFB0];
	v54 =	vor.u32 s25, v0;
	s0 =	sor.u32 $0x1, s25;
	s2 =	sor.u32 $0x20, s25  }
0x200: {  	v47 =	vld [tilespmem:s26+$0xFFFFFFC0];
	s26 =	sor.u32 $0x21, s25;
	s28 =	sor.u32 $0x40, s25;
	v14 =	vadd.f32 v16, v14;
	v55 =	vor.u32 s0, v0;
	v57 =	vor.u32 s2, v0  }
0x201: {  	v58 =	vor.u32 s26, v0;
	v60 =	vor.u32 s28, v0;
	v5 =	vadd.f32 v11, v5  }
0x202: {  	v8 =	vadd.f32 v8, v12;
	v13 =	vadd.f32 v43, v13;
	v17 =	vpack.i.f32.bf16 v17, v17  }
0x203: {  	v7 =	vadd.f32 v45, v14;
	v9 =	vmul.bf16 v9, v17;
	v10 =	vmul.bf16 v10, v17  }
0x204: {  	v15 =	vmul.bf16 v15, v17;
	v6 =	vpack.i.f32.bf16 v6, v6;
	v17 =	vmul.bf16 v21, v17  }
0x205: {  	v48 =	vunpack.i.u.bf16.f32 v9;
	v9 =	vunpack.i.l.bf16.f32 v9;
	v49 =	vunpack.i.u.bf16.f32 v10  }
0x206: {  	v10 =	vunpack.i.l.bf16.f32 v10;
	v16 =	vmul.bf16 v42, v6;
	v11 =	vmul.bf16 v44, v6  }
0x207: {  	v50 =	vunpack.i.u.bf16.f32 v15;
	v12 =	vmul.bf16 v46, v6;
	v6 =	vmul.bf16 v47, v6  }
0x208: {  	v51 =	vunpack.i.l.bf16.f32 v15;
	v52 =	vunpack.i.l.bf16.f32 v16;
	v16 =	vunpack.i.u.bf16.f32 v16  }
0x209: {  	v53 =	vunpack.i.u.bf16.f32 v11;
	v11 =	vunpack.i.l.bf16.f32 v11;
	v1 =	vadd.f32 v52, v1  }
0x20a: {  	v56 =	vunpack.i.u.bf16.f32 v12;
	v12 =	vunpack.i.l.bf16.f32 v12;
	v2 =	vadd.f32 v16, v2  }
0x20b: {  	v59 =	vunpack.i.u.bf16.f32 v6;
	v3 =	vadd.f32 v11, v3;
	v1 =	vadd.f32 v9, v1  }
0x20c: {  	s29 =	sor.u32 $0x41, s25;
	v6 =	vunpack.i.l.bf16.f32 v6;
	v4 =	vadd.f32 v53, v4;
	v2 =	vadd.f32 v48, v2  }
0x20d: {  	s30 =	sor.u32 $0x60, s25;
	v5 =	vadd.f32 v12, v5;
	v3 =	vadd.f32 v10, v3;
	[tilespmem:v54+s21+$0x0] =	vst.idx.msk $0xffff, v1;
	v1 =	vor.u32 s29, v0  }
0x20e: {  	s31 =	sor.u32 $0x61, s25;
	s24 =	sadd.s32 $0x1, s24;
	v8 =	vadd.f32 v56, v8;
	v4 =	vadd.f32 v49, v4;
	[tilespmem:v55+s21+$0x0] =	vst.idx.msk $0xffff, v2;
	v2 =	vor.u32 s30, v0  }
0x20f: {  	p0 =	sne.s32 s24, $0x20;
	v6 =	vadd.f32 v6, v7;
	v5 =	vadd.f32 v51, v5;
	[tilespmem:v57+s21+$0x0] =	vst.idx.msk $0xffff, v3;
	v3 =	vor.u32 s31, v0  }
.Ltmp4:
0x210: {  	v62 =	vunpack.i.l.bf16.f32 v17;
	v61 =	vadd.f32 v59, v13;
	v8 =	vadd.f32 v50, v8;
	[tilespmem:v58+s21+$0x0] =	vst.idx.msk $0xffff, v4;
	(pc) =	sbr.rel @p0 .LBB2_2-.Ltmp4, $4  }
0x211: {  	v63 =	vunpack.i.u.bf16.f32 v17;
	v6 =	vadd.f32 v62, v6;
	[tilespmem:v60+s21+$0x0] =	vst.idx.msk $0xffff, v5  }
0x212: {  	v4 =	vadd.f32 v63, v61;
	[tilespmem:v1+s21+$0x0] =	vst.idx.msk $0xffff, v8  }
0x213: {  	[tilespmem:v2+s21+$0x0] =	vst.idx.msk $0xffff, v6  }
0x214: {  	[tilespmem:v3+s21+$0x0] =	vst.idx.msk $0xffff, v4  }
0x215: {  	_ =	swait.ge [sflag:s17], $0x2000;
	s23 =	sadd.s32 $0x1, s23  }
0x216: {  	[sflag:s17] =	ssyncset.done $0x0;
	p0 =	sne.s32 s23, s11  }
.Ltmp5:
0x217: {  	[sflag:s17] =	ssyncadd.s32 $0xFFFFE000;
	(pc) =	sbr.rel @p0 .LBB2_1-.Ltmp5, $4  }
0x218: {  	[hbm4b:s10+s3] =	stream.linear.scatter [tilespmem:s21], [sflag:$0x3], $0x4000, $0x38;
	[tilespmem:$0x194C0] =	vst v63  }
0x219: {  	_ =	swait.ge [sflag:s13], $0x4000  }
0x21a: {  	[sflag:s13] =	ssyncset.done $0x0  }
0x21b: {  	[sflag:s13] =	ssyncadd.s32 $0xFFFFC000  }
0x21c: {  	_ =	sfence.sel $0x180000  }
0x21d: {  	[bflag:$0x0] =	sbarrier.arrive $0xFFFF  }
0x21e: {  	_ =	strace $0x90000047  }
0x21f: {  	s0 =	stileid.u32;
	[bflag:$0x2] =	sbarrier.arrive $0xFFFF  }
0x220: {  	p0 =	sne.s32 s0, $0x0;
	s0 =	rddreg [dreg:$0x4]  }
0x221: {  	s0 =	sadd.s32 @!p0 $0x100000, s0  }
0x222: {  	[sflag:s0] =	ssyncadd.tile.s32 @!p0 $0x1;
	_ =	shalt  }
.Lfunc_end2:
_tile_overlayer_lowered:
.L_overlay_start_2:
0x223: {  	(tag) =	ssettag $0x2  }
0x224: {  	s0 =	rddreg [dreg:$0x0];
	s2 =	stileid.u32  }
0x225: {  	s1 =	rddreg [dreg:$0x1];
	p0 =	sne.s32 s2, $0x0  }
0x226: {  	s3 =	rddreg [dreg:$0x2];
	[bflag:$0x3] =	sbarrier.arrive $0xFFFF;
	s2 =	simm.s32 @!p0 $0x1C03  }
0x227: {  	[timem:s3], [sflag:s2] =	dma.local @!p0 [hbm:s0], s1  }
0x228: {  	s0 =	simm.s32 @!p0 $0x3  }
0x229: {  	_ =	swait.ge @!p0 [sflag:s0], s1  }
0x22a: {  	s1 =	ssub.s32 @!p0 $0x0, s1;
	[sflag:s0] =	ssyncset.done @!p0 $0x0  }
0x22b: {  	[sflag:s0] =	ssyncadd.s32 @!p0 s1  }
0x22c: {  	[bflag:$0x3] =	sbarrier.arrive $0xFFFF  }
0x22d: {  	_ =	shalt  }

</sc_bundles>
